<compile_context>
chip_gen: v7x
topology: tpu7x:2x2x1
jax: 0.10.2.dev20260603
libtpu: 0.0.44.dev20260713+nightly
codegen_flags: <defaults>
</compile_context>

<pallas_src>
import functools

import jax
import jax.numpy as jnp
from jax.experimental import pallas as pl

_NPOINT = 1024
_RADIUS = 0.4
_NSAMPLE = 32
_TOPK = 512
_FG = 512


def _fps_kernel(pts_ref, idx_ref, *, npoint):
    R, M = pts_ref.shape[1], pts_ref.shape[2]
    x = pts_ref[0, :, :]
    y = pts_ref[1, :, :]
    z = pts_ref[2, :, :]
    lane = jax.lax.broadcasted_iota(jnp.int32, (R, M), 1)
    out_lane = jax.lax.broadcasted_iota(jnp.int32, (R, npoint), 1)
    out_row = jax.lax.broadcasted_iota(jnp.int32, (R, npoint), 0)
    out_lane2 = out_lane + out_row * npoint

    def body(i, carry):
        dists, far, idxs = carry
        hit = out_lane2 == (out_row * npoint + i)
        idxs = jnp.where(hit, jnp.broadcast_to(far, idxs.shape), idxs)
        sel = (lane == jnp.broadcast_to(far, lane.shape)).astype(jnp.float32)
        cx = jnp.sum(x * sel, axis=1, keepdims=True)
        cy = jnp.sum(y * sel, axis=1, keepdims=True)
        cz = jnp.sum(z * sel, axis=1, keepdims=True)
        d = (x - cx) ** 2 + (y - cy) ** 2 + (z - cz) ** 2
        dists = jnp.minimum(dists, d)
        mx = jnp.max(dists, axis=1, keepdims=True)
        far = jnp.min(jnp.where(dists == mx, lane, M),
                      axis=1, keepdims=True).astype(jnp.int32)
        return dists, far, idxs

    init = (
        jnp.full((R, M), 1e10, dtype=jnp.float32),
        jnp.zeros((R, 1), dtype=jnp.int32),
        jnp.zeros((R, npoint), dtype=jnp.int32),
    )
    _, _, idxs = jax.lax.fori_loop(0, npoint, body, init)
    idx_ref[...] = idxs


def _fps_call(pts, npoint):
    _, R, M = pts.shape
    return pl.pallas_call(
        functools.partial(_fps_kernel, npoint=npoint),
        in_specs=[pl.BlockSpec((3, R, M), lambda: (0, 0, 0))],
        out_specs=pl.BlockSpec((R, npoint), lambda: (0, 0)),
        out_shape=jax.ShapeDtypeStruct((R, npoint), jnp.int32),
    )(pts)


def _mlp_kernel(x_ref, w0_ref, b0_ref, w1_ref, b1_ref, w2_ref, b2_ref,
                o_ref, *, ts, ns):
    x = x_ref[...]
    y = jnp.maximum(jnp.dot(x, w0_ref[...],
                            preferred_element_type=jnp.float32) + b0_ref[...], 0.0)
    y = jnp.maximum(jnp.dot(y, w1_ref[...],
                            preferred_element_type=jnp.float32) + b1_ref[...], 0.0)
    y = jnp.maximum(jnp.dot(y, w2_ref[...],
                            preferred_element_type=jnp.float32) + b2_ref[...], 0.0)
    o_ref[...] = jnp.max(y.reshape(ts, ns, y.shape[-1]), axis=1)


def _mlp_call(grouped, w0t, b0, w1t, b1, w2t, b2):
    B, SN, Cin = grouped.shape
    ns = _NSAMPLE
    S = SN // ns
    Cout = w2t.shape[1]
    ts = 128
    kern = functools.partial(_mlp_kernel, ts=ts, ns=ns)
    rep = lambda b, s: (0, 0)
    out = pl.pallas_call(
        kern,
        grid=(B, S // ts),
        in_specs=[
            pl.BlockSpec((None, ts * ns, Cin), lambda b, s: (b, s, 0)),
            pl.BlockSpec(w0t.shape, rep),
            pl.BlockSpec(b0.shape, rep),
            pl.BlockSpec(w1t.shape, rep),
            pl.BlockSpec(b1.shape, rep),
            pl.BlockSpec(w2t.shape, rep),
            pl.BlockSpec(b2.shape, rep),
        ],
        out_specs=pl.BlockSpec((None, ts, Cout), lambda b, s: (b, s, 0)),
        out_shape=jax.ShapeDtypeStruct((B, S, Cout), jnp.float32),
    )(grouped, w0t, b0, w1t, b1, w2t, b2)
    return out


def kernel(xyz, features, fbs_w, fbs_b, conv_w0, bn_g0, bn_b0,
           conv_w1, bn_g1, bn_b1, conv_w2, bn_g2, bn_b2):
    B, N, _ = xyz.shape

    scores = jnp.einsum('oc,bcn->bon', fbs_w, features) + fbs_b[None, :, None]
    soft = jax.nn.softmax(scores, axis=1)
    margin = soft[:, 1, :] - soft[:, 0, :]
    _, top_idx = jax.lax.top_k(margin, _TOPK)
    mask = jnp.zeros((B, N), dtype=jnp.int32).at[
        jnp.arange(B)[:, None], top_idx].set(1)
    pos_idx = jnp.sort(top_idx, axis=1).astype(jnp.int32)
    neg_idx = jnp.argsort(mask, axis=1).astype(jnp.int32)[:, : N - _TOPK]

    gather_rows = jax.vmap(lambda a, i: a[i])
    pos_xyz = gather_rows(xyz, pos_idx)
    neg_xyz = gather_rows(xyz, neg_idx)
    M = neg_xyz.shape[1]
    pos_pad = jnp.concatenate(
        [pos_xyz, jnp.broadcast_to(pos_xyz[:, :1, :],
                                   (B, M - pos_xyz.shape[1], 3))], axis=1)
    allpts = jnp.concatenate([pos_pad, neg_xyz], axis=0)
    sel = _fps_call(jnp.transpose(allpts, (2, 0, 1)), _FG)
    sel_pos, sel_neg = sel[:B], sel[B:]
    new_pos = jnp.take_along_axis(pos_idx, sel_pos, axis=1)
    new_neg = jnp.take_along_axis(neg_idx, sel_neg, axis=1)
    indices = jnp.concatenate([new_pos, new_neg], axis=1)
    new_xyz = gather_rows(xyz, indices)

    def ball_one(xyz_b, new_xyz_b):
        sqr = jnp.sum((new_xyz_b[:, None, :] - xyz_b[None, :, :]) ** 2, axis=-1)
        gidx = jnp.broadcast_to(jnp.arange(N, dtype=jnp.int32), sqr.shape)
        gidx = jnp.where(sqr > _RADIUS ** 2, N, gidx)
        neg_top, _ = jax.lax.top_k(-gidx, _NSAMPLE)
        gidx = -neg_top
        first = gidx[:, :1]
        return jnp.where(gidx == N, first, gidx)

    gidx = jax.vmap(ball_one)(xyz, new_xyz)

    feat_t = jnp.transpose(features, (0, 2, 1))
    gx = gather_rows(xyz, gidx.reshape(B, -1)).reshape(B, _NPOINT, _NSAMPLE, 3)
    gx = gx - new_xyz[:, :, None, :]
    gf = gather_rows(feat_t, gidx.reshape(B, -1)).reshape(
        B, _NPOINT, _NSAMPLE, feat_t.shape[-1])
    grouped = jnp.concatenate([gx, gf], axis=-1)
    grouped = grouped.reshape(B, _NPOINT * _NSAMPLE, -1)

    w0t = (conv_w0 * bn_g0[:, None]).T
    w1t = (conv_w1 * bn_g1[:, None]).T
    w2t = (conv_w2 * bn_g2[:, None]).T
    out = _mlp_call(grouped, w0t, bn_b0[None, :], w1t, bn_b1[None, :],
                    w2t, bn_b2[None, :])
    new_features = jnp.transpose(out, (0, 2, 1))
    return new_xyz, new_features

# --- scband reference (transcript-rebuilt; emitter-appended) ---
"""Pipeline reference for scband-point-net2-fbs-ssg-23922967838989 (READ-ONLY COPY).

The authoritative reference and input builder live on the scoring server;
editing this copy changes nothing except your own understanding.
"""

import jax, jax.numpy as jnp
import numpy as np

NPOINT = 1024
RADIUS = 0.4
NSAMPLE = 32
TOPK = 512
FG = 512


def _fps(points, npoint):
    # farthest point sampling over points [M,3]; starts at index 0 like pointnet2 CUDA kernel
    points = jax.lax.stop_gradient(points)
    M = points.shape[0]

    def step(carry, _):
        dists, far = carry
        centroid = points[far]
        d = jnp.sum((points - centroid) ** 2, axis=-1)
        dists = jnp.minimum(dists, d)
        nxt = jnp.argmax(dists).astype(jnp.int32)
        return (dists, nxt), far

    init = (jnp.full((M,), 1e10, dtype=jnp.float32), jnp.array(0, dtype=jnp.int32))
    _, idxs = jax.lax.scan(step, init, None, length=npoint)
    return idxs


def _ball_query(xyz, new_xyz, radius, nsample):
    # xyz [N,3], new_xyz [S,3] -> [S,nsample] int32 neighbor indices
    N = xyz.shape[0]
    sqr = jnp.sum((new_xyz[:, None, :] - xyz[None, :, :]) ** 2, axis=-1)
    gidx = jnp.broadcast_to(jnp.arange(N, dtype=jnp.int32), sqr.shape)
    gidx = jnp.where(sqr > radius ** 2, N, gidx)
    gidx = jnp.sort(gidx, axis=-1)[:, :nsample]
    first = gidx[:, :1]
    gidx = jnp.where(gidx == N, first, gidx)
    return gidx


def setup_inputs(seed: int = 0) -> dict:
    key = jax.random.key(seed)
    ks = jax.random.split(key, 16)
    B, N, C = 4, 8192, 128
    xyz = jax.random.uniform(ks[0], (B, N, 3), dtype=jnp.float32)
    features = jax.random.normal(ks[1], (B, C, N), dtype=jnp.float32)
    fbs_w = jax.random.normal(ks[2], (2, C), dtype=jnp.float32) * 0.05
    fbs_b = jnp.zeros((2,), dtype=jnp.float32)
    dims = [C + 3, 128, 128, 256]
    params = {}
    for i in range(3):
        params['conv_w%d' % i] = jax.random.normal(ks[3 + i], (dims[i + 1], dims[i]), dtype=jnp.float32) * (1.0 / np.sqrt(dims[i]))
        params['bn_g%d' % i] = jnp.ones((dims[i + 1],), dtype=jnp.float32)
        params['bn_b%d' % i] = jnp.zeros((dims[i + 1],), dtype=jnp.float32)
    out = {'xyz': xyz, 'features': features, 'fbs_w': fbs_w, 'fbs_b': fbs_b}
    out.update(params)
    return out


def reference(xyz, features, fbs_w, fbs_b, conv_w0, bn_g0, bn_b0, conv_w1, bn_g1, bn_b1, conv_w2, bn_g2, bn_b2):
    B, N, _ = xyz.shape
    # FBS: foreground/background scoring via 1x1 conv (fbs_mlps[0])
    scores = jnp.einsum('oc,bcn->bon', fbs_w, features) + fbs_b[None, :, None]  # [B,2,N]
    soft = jax.nn.softmax(scores, axis=1)
    margin = soft[:, 1, :] - soft[:, 0, :]  # [B,N]
    _, top_idx = jax.lax.top_k(margin, TOPK)
    mask = jnp.zeros((B, N), dtype=jnp.int32).at[jnp.arange(B)[:, None], top_idx].set(1)
    pos_idx = jnp.sort(top_idx, axis=1).astype(jnp.int32)          # nonzero(mask) order
    neg_idx = jnp.argsort(mask, axis=1).astype(jnp.int32)[:, : N - TOPK]  # stable: zeros first, in index order

    def sample_one(xyz_b, pos_b, neg_b):
        pos_xyz = xyz_b[pos_b]
        sel_pos = _fps(pos_xyz, FG)
        new_pos = pos_b[sel_pos]
        neg_xyz = xyz_b[neg_b]
        sel_neg = _fps(neg_xyz, NPOINT - FG)
        new_neg = neg_b[sel_neg]
        idx = jnp.concatenate([new_pos, new_neg], axis=0)
        return xyz_b[idx], idx

    new_xyz, indices = jax.vmap(sample_one)(xyz, pos_idx, neg_idx)  # [B,NPOINT,3], [B,NPOINT]

    def group_one(xyz_b, new_xyz_b, feat_b):
        gidx = _ball_query(xyz_b, new_xyz_b, RADIUS, NSAMPLE)       # [S,ns]
        grouped_xyz = xyz_b[gidx] - new_xyz_b[:, None, :]            # [S,ns,3]
        grouped_xyz = jnp.transpose(grouped_xyz, (2, 0, 1))          # [3,S,ns]
        grouped_feat = feat_b[:, gidx]                               # [C,S,ns]
        return jnp.concatenate([grouped_xyz, grouped_feat], axis=0)  # [3+C,S,ns]

    grouped = jax.vmap(group_one)(xyz, new_xyz, features)            # [B,3+C,S,ns]

    h = grouped
    for w, g, b in ((conv_w0, bn_g0, bn_b0), (conv_w1, bn_g1, bn_b1), (conv_w2, bn_g2, bn_b2)):
        h = jnp.einsum('oc,bcsn->bosn', w, h)
        h = h * g[None, :, None, None] + b[None, :, None, None]  # eval-mode BN affine
        h = jax.nn.relu(h)
    new_features = jnp.max(h, axis=-1)  # max_pool over nsample -> [B, C_out, S]
    return new_xyz, new_features

if __name__ == "__main__":
    import jax
    _d = setup_inputs()
    print(jax.jit(kernel)(*tuple(_d.values())))

</pallas_src>

<mosaic_0001>
module attributes {stable_mosaic.version = 14 : i64} {
  func.func @_fps_kernel(%arg0: memref<3x8x7680xf32, #tpu.memory_space<vmem>>, %arg1: memref<8x512xi32, #tpu.memory_space<vmem>>) attributes {dimension_semantics = [], scalar_prefetch = 0 : i64, scratch_operands = 0 : i64, tpu.core_type = #tpu.core_type<tc>} {
    %get3A = arith.constant 0 : index
    %get3A_0 = arith.constant 0 : index
    %get3A_1 = arith.constant 0 : index
    %get3A_2 = vector.load %arg0[%get3A, %get3A_0, %get3A_1] : memref<3x8x7680xf32, #tpu.memory_space<vmem>>, vector<1x8x7680xf32>
    %get3A_3 = vector.shape_cast %get3A_2 : vector<1x8x7680xf32> to vector<8x7680xf32>
    %get3A_4 = arith.constant 1 : index
    %get3A_5 = arith.constant 0 : index
    %get3A_6 = arith.constant 0 : index
    %get3A_7 = vector.load %arg0[%get3A_4, %get3A_5, %get3A_6] : memref<3x8x7680xf32, #tpu.memory_space<vmem>>, vector<1x8x7680xf32>
    %get3A_8 = vector.shape_cast %get3A_7 : vector<1x8x7680xf32> to vector<8x7680xf32>
    %get3A_9 = arith.constant 2 : index
    %get3A_10 = arith.constant 0 : index
    %get3A_11 = arith.constant 0 : index
    %get3A_12 = vector.load %arg0[%get3A_9, %get3A_10, %get3A_11] : memref<3x8x7680xf32, #tpu.memory_space<vmem>>, vector<1x8x7680xf32>
    %get3A_13 = vector.shape_cast %get3A_12 : vector<1x8x7680xf32> to vector<8x7680xf32>
    %iota3A = tpu.iota {dimensions = array<i32: 1>} : vector<8x7680xi32>
    %iota3A_14 = tpu.iota {dimensions = array<i32: 1>} : vector<8x512xi32>
    %iota3A_15 = tpu.iota {dimensions = array<i32: 0>} : vector<8x512xi32>
    %mul3A = arith.constant 512 : i32
    %mul3A_16 = vector.broadcast %mul3A : i32 to vector<8x512xi32>
    %mul3A_17 = arith.muli %iota3A_15, %mul3A_16 : vector<8x512xi32>
    %add3A = arith.addi %iota3A_14, %mul3A_17 : vector<8x512xi32>
    %broadcast_in_dim3A = arith.constant 1.000000e+10 : f32
    %broadcast_in_dim3A_18 = vector.broadcast %broadcast_in_dim3A : f32 to vector<8x7680xf32>
    %broadcast_in_dim3A_19 = arith.constant 0 : i32
    %broadcast_in_dim3A_20 = vector.broadcast %broadcast_in_dim3A_19 : i32 to vector<8x1xi32>
    %broadcast_in_dim3A_21 = arith.constant 0 : i32
    %broadcast_in_dim3A_22 = vector.broadcast %broadcast_in_dim3A_21 : i32 to vector<8x512xi32>
    %scan3A = arith.constant 0 : i32
    %scan3A_23 = arith.constant 512 : i32
    %scan3A_24 = arith.addi %scan3A, %scan3A_23 : i32
    %scan3A_25 = arith.constant 1 : i32
    %scan3A_26:3 = scf.for %scan3A_30 = %scan3A to %scan3A_24 step %scan3A_25 iter_args(%scan3A_31 = %broadcast_in_dim3A_18, %scan3A_32 = %broadcast_in_dim3A_20, %scan3A_33 = %broadcast_in_dim3A_22) -> (vector<8x7680xf32>, vector<8x1xi32>, vector<8x512xi32>)  : i32 {
      %mul3A_34 = arith.constant 512 : i32
      %mul3A_35 = vector.broadcast %mul3A_34 : i32 to vector<8x512xi32>
      %mul3A_36 = arith.muli %iota3A_15, %mul3A_35 : vector<8x512xi32>
      %add3A_37 = vector.broadcast %scan3A_30 : i32 to vector<8x512xi32>
      %add3A_38 = arith.addi %mul3A_36, %add3A_37 : vector<8x512xi32>
      %eq3A = arith.cmpi eq, %add3A, %add3A_38 : vector<8x512xi32>
      %broadcast_in_dim3A_39 = vector.shape_cast %scan3A_32 : vector<8x1xi32> to vector<8x1xi32>
      %broadcast_in_dim3A_40 = vector.broadcast %broadcast_in_dim3A_39 : vector<8x1xi32> to vector<8x512xi32>
      %select_n3A = arith.select %eq3A, %broadcast_in_dim3A_40, %scan3A_33 : vector<8x512xi1>, vector<8x512xi32>
      %broadcast_in_dim3A_41 = vector.shape_cast %scan3A_32 : vector<8x1xi32> to vector<8x1xi32>
      %broadcast_in_dim3A_42 = vector.broadcast %broadcast_in_dim3A_41 : vector<8x1xi32> to vector<8x7680xi32>
      %eq3A_43 = arith.cmpi eq, %iota3A, %broadcast_in_dim3A_42 : vector<8x7680xi32>
      %convert_element_type3A = arith.extui %eq3A_43 : vector<8x7680xi1> to vector<8x7680xi32>
      %convert_element_type3A_44 = arith.sitofp %convert_element_type3A : vector<8x7680xi32> to vector<8x7680xf32>
      %mul3A_45 = arith.mulf %get3A_3, %convert_element_type3A_44 : vector<8x7680xf32>
      %reduce_sum3A = arith.constant dense<0.000000e+00> : vector<8xf32>
      %reduce_sum3A_46 = vector.multi_reduction <add>, %mul3A_45, %reduce_sum3A [1] : vector<8x7680xf32> to vector<8xf32>
      %broadcast_in_dim3A_47 = vector.shape_cast %reduce_sum3A_46 : vector<8xf32> to vector<8x1xf32>
      %mul3A_48 = arith.mulf %get3A_8, %convert_element_type3A_44 : vector<8x7680xf32>
      %reduce_sum3A_49 = arith.constant dense<0.000000e+00> : vector<8xf32>
      %reduce_sum3A_50 = vector.multi_reduction <add>, %mul3A_48, %reduce_sum3A_49 [1] : vector<8x7680xf32> to vector<8xf32>
      %broadcast_in_dim3A_51 = vector.shape_cast %reduce_sum3A_50 : vector<8xf32> to vector<8x1xf32>
      %mul3A_52 = arith.mulf %get3A_13, %convert_element_type3A_44 : vector<8x7680xf32>
      %reduce_sum3A_53 = arith.constant dense<0.000000e+00> : vector<8xf32>
      %reduce_sum3A_54 = vector.multi_reduction <add>, %mul3A_52, %reduce_sum3A_53 [1] : vector<8x7680xf32> to vector<8xf32>
      %broadcast_in_dim3A_55 = vector.shape_cast %reduce_sum3A_54 : vector<8xf32> to vector<8x1xf32>
      %sub3A = vector.broadcast %broadcast_in_dim3A_47 : vector<8x1xf32> to vector<8x7680xf32>
      %sub3A_56 = arith.subf %get3A_3, %sub3A : vector<8x7680xf32>
      %integer_pow3A = arith.mulf %sub3A_56, %sub3A_56 : vector<8x7680xf32>
      %sub3A_57 = vector.broadcast %broadcast_in_dim3A_51 : vector<8x1xf32> to vector<8x7680xf32>
      %sub3A_58 = arith.subf %get3A_8, %sub3A_57 : vector<8x7680xf32>
      %integer_pow3A_59 = arith.mulf %sub3A_58, %sub3A_58 : vector<8x7680xf32>
      %add3A_60 = arith.addf %integer_pow3A, %integer_pow3A_59 : vector<8x7680xf32>
      %sub3A_61 = vector.broadcast %broadcast_in_dim3A_55 : vector<8x1xf32> to vector<8x7680xf32>
      %sub3A_62 = arith.subf %get3A_13, %sub3A_61 : vector<8x7680xf32>
      %integer_pow3A_63 = arith.mulf %sub3A_62, %sub3A_62 : vector<8x7680xf32>
      %add3A_64 = arith.addf %add3A_60, %integer_pow3A_63 : vector<8x7680xf32>
      %min3A = arith.minimumf %scan3A_31, %add3A_64 : vector<8x7680xf32>
      %reduce_max3A = arith.constant dense<0xFF800000> : vector<8xf32>
      %reduce_max3A_65 = vector.multi_reduction <maximumf>, %min3A, %reduce_max3A [1] : vector<8x7680xf32> to vector<8xf32>
      %broadcast_in_dim3A_66 = vector.shape_cast %reduce_max3A_65 : vector<8xf32> to vector<8x1xf32>
      %eq3A_67 = vector.broadcast %broadcast_in_dim3A_66 : vector<8x1xf32> to vector<8x7680xf32>
      %eq3A_68 = arith.cmpf oeq, %min3A, %eq3A_67 : vector<8x7680xf32>
      %jit3A = arith.constant 7680 : i32
      %broadcast_in_dim3A_69 = vector.broadcast %jit3A : i32 to vector<8x7680xi32>
      %select_n3A_70 = arith.select %eq3A_68, %iota3A, %broadcast_in_dim3A_69 : vector<8x7680xi1>, vector<8x7680xi32>
      %reduce_min3A = arith.constant dense<2147483647> : vector<8xi32>
      %reduce_min3A_71 = vector.multi_reduction <minsi>, %select_n3A_70, %reduce_min3A [1] : vector<8x7680xi32> to vector<8xi32>
      %broadcast_in_dim3A_72 = vector.shape_cast %reduce_min3A_71 : vector<8xi32> to vector<8x1xi32>
      scf.yield %min3A, %broadcast_in_dim3A_72, %select_n3A : vector<8x7680xf32>, vector<8x1xi32>, vector<8x512xi32>
    }
    %scan3A_27 = arith.constant 512 : i32
    %swap3A = arith.constant 0 : index
    %swap3A_28 = arith.constant 0 : index
    %swap3A_29 = vector.load %arg1[%swap3A, %swap3A_28] : memref<8x512xi32, #tpu.memory_space<vmem>>, vector<8x512xi32>
    tpu.vector_store %arg1[%swap3A, %swap3A_28], %scan3A_26#2 {strides = array<i32>} : memref<8x512xi32, #tpu.memory_space<vmem>>, vector<8x512xi32>,
    return
  }
}

module attributes {stable_mosaic.version = 14 : i64} {
  func.func @_mlp_kernel(%arg0: i32, %arg1: i32, %arg2: memref<1x4096x131xf32, #tpu.memory_space<vmem>>, %arg3: memref<131x128xf32, #tpu.memory_space<vmem>>, %arg4: memref<1x128xf32, #tpu.memory_space<vmem>>, %arg5: memref<128x128xf32, #tpu.memory_space<vmem>>, %arg6: memref<1x128xf32, #tpu.memory_space<vmem>>, %arg7: memref<128x256xf32, #tpu.memory_space<vmem>>, %arg8: memref<1x256xf32, #tpu.memory_space<vmem>>, %arg9: memref<1x128x256xf32, #tpu.memory_space<vmem>>) attributes {dimension_semantics = [#tpu.dimension_semantics<arbitrary>, #tpu.dimension_semantics<arbitrary>], iteration_bounds = array<i64: 4, 8>, scalar_prefetch = 0 : i64, scratch_operands = 0 : i64, tpu.core_type = #tpu.core_type<tc>, window_params = [{transform_indices = @transform_0, window_bounds = array<i64: 1, 4096, 131>}, {pipeline_mode = #tpu.pipeline_mode<synchronous>, transform_indices = @transform_1, window_bounds = array<i64: 131, 128>}, {pipeline_mode = #tpu.pipeline_mode<synchronous>, transform_indices = @transform_2, window_bounds = array<i64: 1, 128>}, {pipeline_mode = #tpu.pipeline_mode<synchronous>, transform_indices = @transform_3, window_bounds = array<i64: 128, 128>}, {pipeline_mode = #tpu.pipeline_mode<synchronous>, transform_indices = @transform_4, window_bounds = array<i64: 1, 128>}, {pipeline_mode = #tpu.pipeline_mode<synchronous>, transform_indices = @transform_5, window_bounds = array<i64: 128, 256>}, {pipeline_mode = #tpu.pipeline_mode<synchronous>, transform_indices = @transform_6, window_bounds = array<i64: 1, 256>}, {transform_indices = @transform_7, window_bounds = array<i64: 1, 128, 256>}]} {
    %get3A = arith.constant 0 : index
    %get3A_0 = arith.constant 0 : index
    %get3A_1 = arith.constant 0 : index
    %get3A_2 = vector.load %arg2[%get3A, %get3A_0, %get3A_1] : memref<1x4096x131xf32, #tpu.memory_space<vmem>>, vector<1x4096x131xf32>
    %get3A_3 = vector.shape_cast %get3A_2 : vector<1x4096x131xf32> to vector<4096x131xf32>
    %get3A_4 = arith.constant 0 : index
    %get3A_5 = arith.constant 0 : index
    %get3A_6 = vector.load %arg3[%get3A_4, %get3A_5] : memref<131x128xf32, #tpu.memory_space<vmem>>, vector<131x128xf32>
    %dot_general3A = arith.constant dense<0.000000e+00> : vector<4096x128xf32>
    %dot_general3A_7 = tpu.matmul %get3A_3, %get3A_6, %dot_general3A {dimension_numbers = #tpu.dot_dimension_numbers<[1], [0], [0], [1], [0, 0, 1, 1], [], []>, transpose_lhs_hint = false} : vector<4096x131xf32>, vector<131x128xf32>, vector<4096x128xf32> -> vector<4096x128xf32>
    %get3A_8 = arith.constant 0 : index
    %get3A_9 = arith.constant 0 : index
    %get3A_10 = vector.load %arg4[%get3A_8, %get3A_9] : memref<1x128xf32, #tpu.memory_space<vmem>>, vector<1x128xf32>
    %add3A = vector.broadcast %get3A_10 : vector<1x128xf32> to vector<4096x128xf32>
    %add3A_11 = arith.addf %dot_general3A_7, %add3A : vector<4096x128xf32>
    %max3A = arith.constant 0.000000e+00 : f32
    %max3A_12 = vector.broadcast %max3A : f32 to vector<4096x128xf32>
    %max3A_13 = arith.maximumf %add3A_11, %max3A_12 : vector<4096x128xf32>
    %get3A_14 = arith.constant 0 : index
    %get3A_15 = arith.constant 0 : index
    %get3A_16 = vector.load %arg5[%get3A_14, %get3A_15] : memref<128x128xf32, #tpu.memory_space<vmem>>, vector<128x128xf32>
    %dot_general3A_17 = arith.constant dense<0.000000e+00> : vector<4096x128xf32>
    %dot_general3A_18 = tpu.matmul %max3A_13, %get3A_16, %dot_general3A_17 {dimension_numbers = #tpu.dot_dimension_numbers<[1], [0], [0], [1], [0, 0, 1, 1], [], []>, transpose_lhs_hint = false} : vector<4096x128xf32>, vector<128x128xf32>, vector<4096x128xf32> -> vector<4096x128xf32>
    %get3A_19 = arith.constant 0 : index
    %get3A_20 = arith.constant 0 : index
    %get3A_21 = vector.load %arg6[%get3A_19, %get3A_20] : memref<1x128xf32, #tpu.memory_space<vmem>>, vector<1x128xf32>
    %add3A_22 = vector.broadcast %get3A_21 : vector<1x128xf32> to vector<4096x128xf32>
    %add3A_23 = arith.addf %dot_general3A_18, %add3A_22 : vector<4096x128xf32>
    %max3A_24 = arith.constant 0.000000e+00 : f32
    %max3A_25 = vector.broadcast %max3A_24 : f32 to vector<4096x128xf32>
    %max3A_26 = arith.maximumf %add3A_23, %max3A_25 : vector<4096x128xf32>
    %get3A_27 = arith.constant 0 : index
    %get3A_28 = arith.constant 0 : index
    %get3A_29 = vector.load %arg7[%get3A_27, %get3A_28] : memref<128x256xf32, #tpu.memory_space<vmem>>, vector<128x256xf32>
    %dot_general3A_30 = arith.constant dense<0.000000e+00> : vector<4096x256xf32>
    %dot_general3A_31 = tpu.matmul %max3A_26, %get3A_29, %dot_general3A_30 {dimension_numbers = #tpu.dot_dimension_numbers<[1], [0], [0], [1], [0, 0, 1, 1], [], []>, transpose_lhs_hint = false} : vector<4096x128xf32>, vector<128x256xf32>, vector<4096x256xf32> -> vector<4096x256xf32>
    %get3A_32 = arith.constant 0 : index
    %get3A_33 = arith.constant 0 : index
    %get3A_34 = vector.load %arg8[%get3A_32, %get3A_33] : memref<1x256xf32, #tpu.memory_space<vmem>>, vector<1x256xf32>
    %add3A_35 = vector.broadcast %get3A_34 : vector<1x256xf32> to vector<4096x256xf32>
    %add3A_36 = arith.addf %dot_general3A_31, %add3A_35 : vector<4096x256xf32>
    %max3A_37 = arith.constant 0.000000e+00 : f32
    %max3A_38 = vector.broadcast %max3A_37 : f32 to vector<4096x256xf32>
    %max3A_39 = arith.maximumf %add3A_36, %max3A_38 : vector<4096x256xf32>
    %reshape3A = vector.shape_cast %max3A_39 : vector<4096x256xf32> to vector<128x32x256xf32>
    %reduce_max3A = arith.constant dense<0xFF800000> : vector<128x256xf32>
    %reduce_max3A_40 = vector.multi_reduction <maximumf>, %reshape3A, %reduce_max3A [1] : vector<128x32x256xf32> to vector<128x256xf32>
    %swap3A = arith.constant 0 : index
    %swap3A_41 = arith.constant 0 : index
    %swap3A_42 = arith.constant 0 : index
    %swap3A_43 = vector.load %arg9[%swap3A, %swap3A_41, %swap3A_42] : memref<1x128x256xf32, #tpu.memory_space<vmem>>, vector<1x128x256xf32>
    %swap3A_44 = vector.shape_cast %swap3A_43 : vector<1x128x256xf32> to vector<128x256xf32>
    %swap3A_45 = vector.shape_cast %reduce_max3A_40 : vector<128x256xf32> to vector<1x128x256xf32>
    tpu.vector_store %arg9[%swap3A, %swap3A_41, %swap3A_42], %swap3A_45 {strides = array<i32>} : memref<1x128x256xf32, #tpu.memory_space<vmem>>, vector<1x128x256xf32>,
    return
  }
  func.func @transform_0(%arg0: i32, %arg1: i32) -> (i32, i32, i32) {
    %c0_i32 = arith.constant 0 : i32
    %c0_i32_0 = arith.constant 0 : i32
    return %arg0, %arg1, %c0_i32 : i32, i32, i32
  }
  func.func @transform_1(%arg0: i32, %arg1: i32) -> (i32, i32) {
    %c0_i32 = arith.constant 0 : i32
    %c0_i32_0 = arith.constant 0 : i32
    %c0_i32_1 = arith.constant 0 : i32
    return %c0_i32, %c0_i32_0 : i32, i32
  }
  func.func @transform_2(%arg0: i32, %arg1: i32) -> (i32, i32) {
    %c0_i32 = arith.constant 0 : i32
    %c0_i32_0 = arith.constant 0 : i32
    %c0_i32_1 = arith.constant 0 : i32
    return %c0_i32, %c0_i32_0 : i32, i32
  }
  func.func @transform_3(%arg0: i32, %arg1: i32) -> (i32, i32) {
    %c0_i32 = arith.constant 0 : i32
    %c0_i32_0 = arith.constant 0 : i32
    %c0_i32_1 = arith.constant 0 : i32
    return %c0_i32, %c0_i32_0 : i32, i32
  }
  func.func @transform_4(%arg0: i32, %arg1: i32) -> (i32, i32) {
    %c0_i32 = arith.constant 0 : i32
    %c0_i32_0 = arith.constant 0 : i32
    %c0_i32_1 = arith.constant 0 : i32
    return %c0_i32, %c0_i32_0 : i32, i32
  }
  func.func @transform_5(%arg0: i32, %arg1: i32) -> (i32, i32) {
    %c0_i32 = arith.constant 0 : i32
    %c0_i32_0 = arith.constant 0 : i32
    %c0_i32_1 = arith.constant 0 : i32
    return %c0_i32, %c0_i32_0 : i32, i32
  }
  func.func @transform_6(%arg0: i32, %arg1: i32) -> (i32, i32) {
    %c0_i32 = arith.constant 0 : i32
    %c0_i32_0 = arith.constant 0 : i32
    %c0_i32_1 = arith.constant 0 : i32
    return %c0_i32, %c0_i32_0 : i32, i32
  }
  func.func @transform_7(%arg0: i32, %arg1: i32) -> (i32, i32, i32) {
    %c0_i32 = arith.constant 0 : i32
    %c0_i32_0 = arith.constant 0 : i32
    return %arg0, %arg1, %c0_i32 : i32, i32, i32
  }
}

</mosaic_0001>

<sc_bundles>
// kernel: gather_offload_async_start.1
scs
__scs_entry_jumppad:
0x0: {  	(pc) =	sbr.rel $0x88, $3  }
0x1: {  	(tag) =	ssettag $0x0;
	lr =	simm.s32 $0x1  }
0x2: {  	[smem:$0x3F94] =	sst lr;
	_ =	strace $0xD0000000  }
0x3: {  	_ = 	snop  }
0x4: {  	_ = 	snop  }
0x5: {  	_ = 	snop  }
0x6: {  	_ = 	snop  }
0x7: {  	_ = 	snop  }
__scs_overlays_trampoline_lowered:
0x8: {  	[smem:$0x3FA3] =	sst s0  }
0x9: {  	[smem:$0x3FA4] =	sst s1  }
0xa: {  	[smem:$0x3FA5] =	sst s2  }
0xb: {  	[smem:$0x3FA6] =	sst s3  }
0xc: {  	[smem:$0x3FA7] =	sst s4  }
0xd: {  	[smem:$0x3FA8] =	sst s5  }
0xe: {  	[smem:$0x3FA9] =	sst s6  }
0xf: {  	[smem:$0x3FAA] =	sst s7  }
0x10: {  	[smem:$0x3FAB] =	sst s8  }
0x11: {  	[smem:$0x3FAC] =	sst s9;
	s0 =	simm.s32 @!p0 $0x0  }
0x12: {  	s1 =	sld [smem:$0x3F92];
	s0 =	simm.s32 @p0 $0x1  }
0x13: {  	[smem:$0x3FAD] =	sst s0;
	s0 =	simm.s32 @!p1 $0x0  }
0x14: {  	s2 =	sld [smem:$0x3F91];
	s0 =	simm.s32 @p1 $0x1  }
0x15: {  	[smem:$0x3FAE] =	sst s0;
	s0 =	simm.s32 @!p2 $0x0  }
0x16: {  	s3 =	sld [smem:$0x3FDB];
	s0 =	simm.s32 @p2 $0x1  }
0x17: {  	s4 =	simm.s32 $0x1BF5;
	[smem:$0x3FB0] =	sst s0  }
0x18: {  	s0 =	sld [smem:$0x3F93];
	_ =	swait.ge [sflag:s4], $0x0  }
0x19: {  	s7 =	sld [smem:$0x3F94]  }
0x1a: {  	s8 =	sadd.s32 $0xFFFFE003, lr  }
0x1b: {  	s9 =	sadd.s32 $0xFFFFFEF7, lr;
	s5 =	simm.s32 $0xFFFFFFFF;
	p2 =	slt.u32 s8, $0xFFFFF086  }
0x1c: {  	p1 =	slt.u32 s9, $0xF7A;
	s5 =	simm.s32 @!p2 $0x0  }
0x1d: {  	s5 =	simm.s32 @p1 $0x1;
	p0 =	seq.s32 s7, s2  }
0x1e: {  	s7 =	smul.u32 @!p0 $0xF7A, s2;
	p2 =	seq.s32 @!p0 s5, $0x0  }
0x1f: {  	s9 =	smul.u32 $0xF7A, s1;
	s8 =	simm.s32 @!p0 $0x1BF5;
	p2 =	por !p2, p0  }
0x20: {  	[sflag:s8] =	ssyncset.s32 @!p0 $0xFFFFF086;
	s6 =	sadd.s32 @!p0 s3, s7;
	s7 =	simm.s32 @!p0 $0x108  }
0x21: {  	s3 =	sadd.s32 s3, s9;
	s6 =	sadd.s32 @!p0 $0x88, s6;
	s7 =	simm.s32 @p2 $0x1082  }
0x22: {  	[simem:s7], [sflag:s8] =	dma.local @!p0 [hbm:s6], $0xF7A  }
0x23: {  	s9 =	sor.u32 $0xD0000000, s2;
	s6 =	simm.s32 $0x108;
	_ =	swait.ge @!p0 [sflag:s8], $0x0  }
0x24: {  	s3 =	sadd.s32 $0x88, s3;
	s6 =	simm.s32 @!p1 $0x1082;
	[sflag:s4] =	ssyncset.s32 $0xFFFFF086  }
0x25: {  	[simem:s6], [sflag:s4] =	dma.local [hbm:s3], $0xF7A  }
0x26: {  	[smem:$0x3F94] =	sst s1;
	(tag) =	ssettag s2;
	_ =	strace s9  }
0x27: {  	s1 =	sld [smem:$0x3FA4]  }
0x28: {  	s2 =	sld [smem:$0x3FA5]  }
0x29: {  	s4 =	sld [smem:$0x3FA7]  }
0x2a: {  	p0 =	seq.s32 s5, $0x0;
	s5 =	sld [smem:$0x3FA8]  }
0x2b: {  	s6 =	sld [smem:$0x3FA9]  }
0x2c: {  	s7 =	sld [smem:$0x3FAA]  }
0x2d: {  	s3 =	simm.s32 $0x108;
	s8 =	sld [smem:$0x3FAB]  }
0x2e: {  	s3 =	simm.s32 @!p0 $0x1082;
	s9 =	sld [smem:$0x3FAC]  }
0x2f: {  	lr =	sadd.s32 s0, s3;
	s0 =	sld [smem:$0x3FA3]  }
0x30: {  	s3 =	sld [smem:$0x3FA6]  }
0x31: {  	[smem:$0x3FAF] =	sst s10  }
0x32: {  	s10 =	sld [smem:$0x3FAD];
	_ =	sdelay $0x3  }
0x33: {  	p0 =	seq.s32 s10, $0x1;
	s10 =	sld [smem:$0x3FAF];
	_ =	sdelay $0x3  }
0x34: {  	[smem:$0x3FAF] =	sst s10  }
0x35: {  	s10 =	sld [smem:$0x3FAE];
	_ =	sdelay $0x3  }
0x36: {  	p1 =	seq.s32 s10, $0x1;
	s10 =	sld [smem:$0x3FAF];
	_ =	sdelay $0x3  }
0x37: {  	[smem:$0x3FAF] =	sst s10  }
0x38: {  	s10 =	sld [smem:$0x3FB0]  }
0x39: {  	_ = 	snop;
	(pc) =	sbr.ind lr, $3  }
0x3a: {  	_ = 	snop  }
0x3b: {  	_ = 	snop  }
0x3c: {  	p2 =	seq.s32 s10, $0x1;
	s10 =	sld [smem:$0x3FAF]  }
0x3d: {  	_ =	shalt  }
0x3e: {  	_ =	shalt  }
0x3f: {  	_ =	shalt  }
0x40: {  	_ =	shalt  }
0x41: {  	_ =	shalt  }
0x42: {  	_ =	shalt  }
0x43: {  	_ =	shalt  }
0x44: {  	_ =	shalt  }
0x45: {  	_ =	shalt  }
0x46: {  	_ =	shalt  }
0x47: {  	_ =	shalt  }
0x48: {  	_ =	shalt  }
0x49: {  	_ =	shalt  }
0x4a: {  	_ =	shalt  }
0x4b: {  	_ =	shalt  }
0x4c: {  	_ =	shalt  }
0x4d: {  	_ =	shalt  }
0x4e: {  	_ =	shalt  }
0x4f: {  	_ =	shalt  }
0x50: {  	_ =	shalt  }
0x51: {  	_ =	shalt  }
0x52: {  	_ =	shalt  }
0x53: {  	_ =	shalt  }
0x54: {  	_ =	shalt  }
0x55: {  	_ =	shalt  }
0x56: {  	_ =	shalt  }
0x57: {  	_ =	shalt  }
0x58: {  	_ =	shalt  }
0x59: {  	_ =	shalt  }
0x5a: {  	_ =	shalt  }
0x5b: {  	_ =	shalt  }
0x5c: {  	_ =	shalt  }
0x5d: {  	_ =	shalt  }
0x5e: {  	_ =	shalt  }
0x5f: {  	_ =	shalt  }
0x60: {  	_ =	shalt  }
0x61: {  	_ =	shalt  }
0x62: {  	_ =	shalt  }
0x63: {  	_ =	shalt  }
0x64: {  	_ =	shalt  }
0x65: {  	_ =	shalt  }
0x66: {  	_ =	shalt  }
0x67: {  	_ =	shalt  }
0x68: {  	_ =	shalt  }
0x69: {  	_ =	shalt  }
0x6a: {  	_ =	shalt  }
0x6b: {  	_ =	shalt  }
0x6c: {  	_ =	shalt  }
0x6d: {  	_ =	shalt  }
0x6e: {  	_ =	shalt  }
0x6f: {  	_ =	shalt  }
0x70: {  	_ =	shalt  }
0x71: {  	_ =	shalt  }
0x72: {  	_ =	shalt  }
0x73: {  	_ =	shalt  }
0x74: {  	_ =	shalt  }
0x75: {  	_ =	shalt  }
0x76: {  	_ =	shalt  }
0x77: {  	_ =	shalt  }
0x78: {  	_ =	shalt  }
0x79: {  	_ =	shalt  }
0x7a: {  	_ =	shalt  }
0x7b: {  	_ =	shalt  }
0x7c: {  	_ =	shalt  }
0x7d: {  	_ =	shalt  }
0x7e: {  	_ =	shalt  }
0x7f: {  	_ =	shalt  }
0x80: {  	_ =	shalt  }
0x81: {  	_ =	shalt  }
0x82: {  	_ =	shalt  }
0x83: {  	_ =	shalt  }
0x84: {  	_ =	shalt  }
0x85: {  	_ =	shalt  }
0x86: {  	_ =	shalt  }
0x87: {  	_ =	shalt  }
.Lfunc_end0:
.L_simem_size_0:
called_computation.2_lowered:
.L_overlay_start_0:
0x88: {  	s2 =	sld [smem:$0x3FD9]  }
0x89: {  	s3 =	sld [smem:$0x3FFE];
	_ =	sdelay $0x1  }
0x8a: {  	s1 =	srdreg.scid  }
0x8b: {  	s0 =	sand.u32 $0x1, s1  }
0x8c: {  	s17 =	sshll.u32 s0, $0xA;
	s2 =	sadd.s32 s3, s2  }
0x8d: {  	s2 =	sadd.s32 s2, s17  }
0x8e: {  	[smem:$0x3FBB] =	sst s2  }
0x8f: {  	_ = 	snop  }
0x90: {  	(tm) =	ssettm $0x1  }
0x91: {  	s18 =	sld [smem:$0x3FFB];
	_ =	sdelay $0x3  }
0x92: {  	_ =	strace s18  }
0x93: {  	s2 =	sld [smem:$0x3FFC];
	_ =	sdelay $0x3  }
0x94: {  	_ =	strace s2  }
0x95: {  	s2 =	sld [smem:$0x3FFD];
	_ =	sdelay $0x3  }
0x96: {  	_ =	strace s2  }
0x97: {  	_ =	strace $0x8FFFFFFF  }
0x98: {  	s19 =	sld [smem:$0x3FDB];
	_ =	sdelay $0x1  }
0x99: {  	s20 =	simm.s32 $_scs_section_size  }
0x9a: {  	s4 =	simm.s32 $_size__tile_overlayer_lowered;
	s5 =	simm.s32 $_tile_overlayer_lowered  }
0x9b: {  	s6 =	simm.s32 $0x1BFF;
	s21 =	sshll.u32 s5, $0x1;
	s3 =	sadd.s32 s20, s19  }
0x9c: {  	s22 =	simm.s32 $0x0;
	s4 =	sshll.u32 s4, $0x1;
	s5 =	sadd.s32 s21, s3  }
0x9d: {  	[timem:s22], [sflag:s6] =	dma.local [hbm:s5], s4  }
0x9e: {  	_ =	swait.ge [sflag:s6], s4  }
0x9f: {  	s4 =	ssub.s32 $0x0, s4;
	[sflag:s6] =	ssyncset.done $0x0  }
0xa0: {  	[sflag:s6] =	ssyncadd.s32 s4;
	_ =	sdelay $0x1  }
0xa1: {  	s23 =	simm.s32 $0x1B8B  }
0xa2: {  	_ =	swait.ge [sflag:s23], $0x1  }
0xa3: {  	[sflag:s23] =	ssyncset.done $0x0  }
0xa4: {  	[sflag:s23] =	ssyncadd.s32 $0xFFFFFFFF  }
0xa5: {  	s4 =	sld [smem:$0x0]  }
0xa6: {  	s5 =	sand.u32 $0xFFFFFFFE, s1  }
0xa7: {  	p0 =	sne.s32 s1, s5  }
0xa8: {  	s5 =	sshll.u32 @p0 s5, $0xE  }
0xa9: {  	s5 =	sadd.s32 @p0 $0x11B8D, s5;
	s6 =	sshll.u32 @p0 s4, $0x11  }
0xaa: {  	s5 =	sor.u32 @p0 s6, s5  }
0xab: {  	[sflag:s5] =	ssyncadd.remote.s32 @p0 $0x1;
	_ =	sdelay $0x1  }
0xac: {  	s5 =	simm.s32 @p0 $0x1B8D  }
0xad: {  	_ =	swait.eq @p0 [sflag:s5], $0x1  }
0xae: {  	[sflag:s5] =	ssyncadd.s32 @p0 $0xFFFFFFFF  }
0xaf: {  	s6 =	sshll.u32 @!p0 s1, $0xE  }
0xb0: {  	s6 =	sor.u32 @!p0 $0x4000, s6;
	s5 =	simm.s32 @!p0 $0x1B8D  }
0xb1: {  	s4 =	sshll.u32 @!p0 s4, $0x11;
	s6 =	sadd.s32 @!p0 $0x11B8D, s6;
	_ =	swait.eq @!p0 [sflag:s5], $0x1  }
0xb2: {  	s4 =	sor.u32 @!p0 s4, s6;
	[sflag:s5] =	ssyncadd.s32 @!p0 $0xFFFFFFFF  }
0xb3: {  	s25 =	simm.s32 $0x1B8E;
	s24 =	sld [smem:$0x3FFE];
	[sflag:s4] =	ssyncadd.remote.s32 @!p0 $0x1  }
0xb4: {  	s26 =	simm.s32 $execute0_lowered;
	[smem:$0x3FD2] =	sst s25  }
0xb5: {  	s5 =	sshll.u32 s26, $0x1;
	_ =	strace $0x80000049;
	[dreg:$0x1] =	wrdreg $0xFFFFFFFF  }
0xb6: {  	s28 =	simm.s32 $_size_execute0_lowered;
	s3 =	sadd.s32 s3, s5;
	[dreg:$0x0] =	wrdreg $0x0  }
0xb7: {  	s5 =	sshll.u32 s28, $0x1;
	[dreg:$0x2] =	wrdreg s3  }
0xb8: {  	[dreg:$0x3] =	wrdreg s5  }
0xb9: {  	[dreg:$0x4] =	wrdreg $0xC0  }
0xba: {  	_ =	task [dreg:s22], $0x5FFFF  }
0xbb: {  	[dreg:$0x1] =	wrdreg $0xFFFFFFFF  }
0xbc: {  	[dreg:$0x0] =	wrdreg $0x60  }
0xbd: {  	[dreg:$0x2] =	wrdreg s24  }
0xbe: {  	[dreg:$0x3] =	wrdreg $0xA  }
0xbf: {  	_ =	task.clear_ibuf [dreg:s22], $0x4FFFF;
	_ =	strace $0x90000049  }
0xc0: {  	s29 =	simm.s32 $0xA;
	_ =	strace $0x8000004B  }
0xc1: {  	_ =	swait.ge [sflag:s29], $0x1  }
0xc2: {  	[sflag:s29] =	ssyncadd.s32 $0xFFFFFFFF  }
0xc3: {  	_ =	strace $0x9000004B  }
0xc4: {  	_ =	sfence  }
0xc5: {  	s30 =	sld [smem:$0x0];
	_ =	sdelay $0x2  }
0xc6: {  	s31 =	sshll.u32 s1, $0xD;
	s1 =	sshrl.u32 s1, $0x2  }
0xc7: {  	s4 =	sand.u32 $0x4000, s31;
	s1 =	sadd.s32 s1, s30  }
0xc8: {  	s0 =	sor.u32 s4, s0;
	s1 =	sshll.u32 s1, $0x11  }
0xc9: {  	s0 =	sor.u32 s1, s0  }
0xca: {  	s0 =	sadd.s32 $0x8F2B, s0  }
0xcb: {  	[sflag:s0] =	ssyncadd.remote.s32 $0x1  }
0xcc: {  	_ =	sfence.sel $0xFFFF  }
0xcd: {  	[dreg:$0x0] =	wrdreg $0xFFFFFFFF;
	(pc) =	sbr.abs _section_cstart, $3  }
0xce: {  	[dreg:$0x1] =	wrdreg $0xFFFFFFFF  }
0xcf: {  	_ =	task.clear_ibuf [dreg:s22], $0x2FFFF;
	_ =	strace $0x9FFFFFFF  }
0xd0: {  	(tm) =	ssettm $0x7FFFFFFF  }
0xd1: {  	_ =	shalt  }
tec
execute0_lowered:
.L_overlay_start_1:
0x0: {  	(tag) =	ssettag $0x1  }
0x1: {  	s0 =	srdreg.scid  }
0x2: {  	s1 =	sshll.u32 s0, $0x4  }
0x3: {  	s0 =	stileid.u32;
	s1 =	sand.u32 $0x10, s1  }
0x4: {  	s2 =	sor.u32 s0, s1  }
0x5: {  	s1 =	sshrl.u32 s1, $0x4;
	s3 =	smin.u32 s2, $0x10;
	s2 =	sshll.u32 s2, $0x1  }
0x6: {  	s1 =	sxor.u32 $0x3, s1;
	s2 =	sadd.s32 s3, s2  }
0x7: {  	s1 =	sadd.s32 s1, s2  }
0x8: {  	s1 =	smul.u32 $0x180, s1  }
0x9: {  	s2 =	smul.u32 $0x180, s2  }
0xa: {  	s3 =	smin.u32 s1, $0x7800  }
0xb: {  	s7 =	ssub.s32 s3, s2  }
0xc: {  	p0 =	sgt.s32 s7, $0x0  }
0xd: {  	s7 =	simm.s32 @!p0 $0x0  }
0xe: {  	s31 =	smul.u32 $0xAAAB, s7  }
0xf: {  	s4 =	rddreg [dreg:$0x0];
	s6 =	simm.s32 $0x1  }
0x10: {  	s10 =	simm.s32 $0x3;
	s13 =	simm.s32 $0x0;
	s8 =	sshrl.u32 s31, $0x18  }
0x11: {  	s12 =	simm.s32 $0x0;
	s5 =	sadd.s32 $0x80200, s4;
	s9 =	smul.u32 $0x180, s8  }
.Ltmp0:
0x12: {  	s11 =	smov.u32 s2;
	s1 =	rddreg [dreg:$0x1];
	(pc) =	sbr.rel .LBB2_1-.Ltmp0, $4  }
0x13: {  	_ =	strace $0x8000004A;
	p0 =	sne.s32 s7, s9;
	s9 =	simm.s32 $0x1  }
0x14: {  	[sflag:s6] =	ssyncpa.u1 $0x0;
	s7 =	simm.s32 $0x2;
	s9 =	simm.s32 @!p0 $0x0  }
0x15: {  	[sflag:s7] =	ssyncpa.u1 $0x0;
	p0 =	por $0x0, $0x0;
	s8 =	sadd.s32 s8, s9  }
0x16: {  	vm0 =	vmmov $0xff;
	vm1 =	vcmask $0x3F20;
	s9 =	sadd.s32 $0x81200, s4;
	[sflag:s10] =	ssyncpa.u1 $0x0;
	s10 =	sadd.s32 $0x1, s8  }
.LBB2_6:
0x17: {  	[hbm:s17] =	stream.linear.scatter [tilespmem:s14], [sflag:$0x3], $0x400, $0x38;
	[tilespmem:$0x18300] =	vst v63  }
.LBB2_7:
0x18: {  	s13 =	sadd.s32 $0x180, s11  }
0x19: {  	s15 =	smov.u32 s2;
	p2 =	slt.s32 s13, s3  }
0x1a: {  	s15 =	smov.u32 @p2 s13;
	p2 =	sne.s32 s12, s10  }
.Ltmp1:
0x1b: {  	p1 =	slt.u32 s12, $0x2;
	(pc) =	sbr.rel @!p2 .LBB2_8-.Ltmp1, $4  }
0x1c: {  	s14 =	simm.s32 @!p1 $0x3  }
0x1d: {  	s16 =	sadd.s32 $0x1, s12;
	_ =	swait.ge @!p1 [sflag:s14], $0xC000  }
0x1e: {  	p0 =	por !p0, !p0;
	s13 =	smov.u32 s11;
	[sflag:s14] =	ssyncset.done @!p1 $0x0  }
0x1f: {  	s12 =	smov.u32 s16;
	s11 =	smov.u32 s15;
	[sflag:s14] =	ssyncadd.s32 @!p1 $0xFFFF4000  }
.LBB2_1:
0x20: {  	p1 =	sge.u32 s12, s8  }
0x21: {  	s14 =	sxor.u32 @!p1 $0xFFFFFFFF, s12  }
0x22: {  	s14 =	sand.u32 @!p1 $0x1, s14  }
0x23: {  	s14 =	smul.u32 @!p1 $0x600, s14  }
0x24: {  	s31 =	sadd.s32 $0xFFFFFFFF, s12;
	s15 =	sshrl.u32 @!p1 s11, $0x3  }
0x25: {  	s16 =	sand.u32 @!p1 $0x7, s11;
	s15 =	sadd.s32 @!p1 s5, s15;
	s14 =	sshrl.u32 @!p1 s14, $0x2  }
0x26: {  	[tilespmem:s14], [sflag:$0x2] =	stream.linear.gather @!p1 [hbm4b:s15+s16], $0x180, $0x38;
	[tilespmem:$0x18300] =	vst v63  }
0x27: {  	p1 =	sge.u32 s31, s8  }
.Ltmp2:
0x28: {  	_ = 	snop;
	(pc) =	sbr.rel @p1 .LBB2_7-.Ltmp2, $1  }
0x29: {  	_ =	sdelay $0x3  }
0x2a: {  	s14 =	simm.s32 $0x1  }
0x2b: {  	s14 =	simm.s32 @!p0 $0x0  }
0x2c: {  	s15 =	smul.u32 $0x600, s14  }
0x2d: {  	_ =	swait.ge [sflag:s7], $0x180  }
0x2e: {  	[sflag:s7] =	ssyncset.done $0x0;
	s16 =	sshrl.u32 s15, $0x2  }
0x2f: {  	[sflag:s7] =	ssyncadd.s32 $0xFFFFFE80;
	s15 =	sadd.s32 $0x0, s16  }
0x30: {  	v0 =	vld.msk [tilespmem:s15+$0x0 ss:$0x1], $0xffff;
	_ =	sdelay $0x4  }
0x31: {  	v1 =	vshll.u32 v0, $0x5  }
0x32: {  	vm2 =	veq.s32 v0, $0x80000000;
	v0 =	vshll.u32 v0, $0x14;
	v1 =	vand.u32 $0xFFF80, v1  }
0x33: {  	v0 =	vand.u32 $0x300000, v0;
	v1 =	vsel vm2, $0xFFFFFF80, v1  }
0x34: {  	v0 =	vsel vm2, $0xFFF00000, v0;
	v2 =	vand.u32 $0xFFFFFC00, v1  }
0x35: {  	v1 =	vand.u32 $0x380, v1;
	v0 =	vadd.s32 v0, v2  }
0x36: {  	v0 =	vor.u32 v1, v0  }
0x37: {  	v0 =	vshrl.u32 v0, $0x3  }
0x38: {  	s14 =	smul.u32 $0x30000, s14;
	_ =	sdelay $0x1  }
0x39: {  	s14 =	sshrl.u32 s14, $0x2  }
0x3a: {  	s14 =	sor.u32 $0x300, s14  }
0x3b: {  	[tilespmem:s14], [sflag:$0x1] =	stream.indirect_vreg.gather [hbm:s4], $0x80, v0, vm0, $0x38;
	[tilespmem:$0x18300] =	vst v63  }
0x3c: {  	s17 =	sadd.s32 $0x10, s16;
	s15 =	sadd.s32 $0x400, s14  }
0x3d: {  	[tilespmem:s15], [sflag:$0x1] =	stream.indirect_vreg.gather [hbm:s4], $0x80, v0, vm1, $0x38;
	[tilespmem:$0x18300] =	vst v63  }
0x3e: {  	s18 =	simm.s32 $0x80;
	v0 =	vld.msk [tilespmem:s17+$0x0 ss:$0x1], $0xffff;
	s17 =	smov.u32 s14  }
.LBB2_3:
0x3f: {  	p1 =	sne.s32 s18, $0x5C0;
	_ =	sdelay $0x4  }
0x40: {  	v1 =	vshll.u32 v0, $0x5  }
0x41: {  	vm2 =	veq.s32 v0, $0x80000000;
	v0 =	vshll.u32 v0, $0x14;
	v1 =	vand.u32 $0xFFF80, v1  }
0x42: {  	v0 =	vand.u32 $0x300000, v0;
	v1 =	vsel vm2, $0xFFFFFF80, v1  }
0x43: {  	v0 =	vsel vm2, $0xFFF00000, v0;
	v2 =	vand.u32 $0xFFFFFC00, v1  }
0x44: {  	v1 =	vand.u32 $0x380, v1;
	v0 =	vadd.s32 v0, v2  }
0x45: {  	v0 =	vor.u32 v1, v0  }
0x46: {  	v0 =	vshrl.u32 v0, $0x3;
	_ =	sdelay $0x3  }
.Ltmp3:
0x47: {  	s19 =	sshra.s32 s18, $0x2;
	s17 =	sadd.s32 $0x800, s17;
	(pc) =	sbr.rel @p1 .LBB2_3-.Ltmp3, $4  }
0x48: {  	[tilespmem:s17], [sflag:$0x1] =	stream.indirect_vreg.gather [hbm:s4], $0x80, v0, vm0, $0x38;
	[tilespmem:$0x18300] =	vst v63  }
0x49: {  	s19 =	sadd.s32 s19, s16;
	s20 =	sadd.s32 $0x400, s17  }
0x4a: {  	[tilespmem:s20], [sflag:$0x1] =	stream.indirect_vreg.gather [hbm:s4], $0x80, v0, vm1, $0x38;
	[tilespmem:$0x18300] =	vst v63  }
0x4b: {  	s18 =	sadd.s32 $0x40, s18;
	v0 =	vld.msk [tilespmem:s19+$0x0 ss:$0x1], $0xffff  }
0x4c: {  	_ =	sdelay $0x3  }
0x4d: {  	v1 =	vshll.u32 v0, $0x5  }
0x4e: {  	vm2 =	veq.s32 v0, $0x80000000;
	v63 =	vshll.u32 v0, $0x14;
	v1 =	vand.u32 $0xFFF80, v1  }
0x4f: {  	v0 =	vand.u32 $0x300000, v63;
	v1 =	vsel vm2, $0xFFFFFF80, v1  }
0x50: {  	v0 =	vsel vm2, $0xFFF00000, v0;
	v2 =	vand.u32 $0xFFFFFC00, v1  }
0x51: {  	v1 =	vand.u32 $0x380, v1;
	v0 =	vadd.s32 v0, v2  }
0x52: {  	v0 =	vor.u32 v1, v0  }
0x53: {  	v0 =	vshrl.u32 v0, $0x3;
	_ =	sdelay $0x3  }
0x54: {  	s16 =	sadd.s32 $0x800, s17  }
0x55: {  	[tilespmem:s16], [sflag:$0x1] =	stream.indirect_vreg.gather [hbm:s4], $0x80, v0, vm0, $0x38;
	[tilespmem:$0x18300] =	vst v63  }
0x56: {  	s16 =	sadd.s32 $0x400, s16  }
0x57: {  	[tilespmem:s16], [sflag:$0x1] =	stream.indirect_vreg.gather [hbm:s4], $0x80, v0, vm1, $0x38;
	[tilespmem:$0x18300] =	vst v63  }
0x58: {  	s13 =	sshll.u32 s13, $0x4;
	_ =	swait.ge [sflag:s6], $0xC000  }
0x59: {  	s13 =	sadd.s32 s13, s9;
	[sflag:s6] =	ssyncset.done $0x0  }
0x5a: {  	s17 =	sadd.s32 $0x0, s13;
	s16 =	simm.s32 $0x80;
	[sflag:s6] =	ssyncadd.s32 $0xFFFF4000  }
.LBB2_5:
0x5b: {  	[hbm:s17] =	stream.linear.scatter [tilespmem:s14], [sflag:$0x3], $0x400, $0x38;
	[tilespmem:$0x18300] =	vst v63  }
0x5c: {  	s17 =	smov.u32 s16;
	s14 =	smov.u32 s15;
	p1 =	sne.s32 s16, $0x1780  }
.Ltmp4:
0x5d: {  	s16 =	sadd.s32 $0x80, s16;
	(pc) =	sbr.rel @p1 .LBB2_5-.Ltmp4, $2  }
0x5e: {  	_ =	sdelay $0x2  }
0x5f: {  	s15 =	sadd.s32 $0x400, s15;
	s17 =	sadd.s32 s17, s13  }
.Ltmp5:
0x60: {  	_ = 	snop;
	(pc) =	sbr.rel .LBB2_6-.Ltmp5, $1  }
0x61: {  	_ =	sdelay $0x3  }
.LBB2_8:
0x62: {  	_ =	sfence.sel $0x180000  }
0x63: {  	s2 =	simm.s32 $0x2;
	[bflag:$0x0] =	sbarrier.arrive $0xFFFF  }
0x64: {  	s30 =	simm.s32 $0x3;
	[sflag:s2] =	ssyncpa.u1 $0x1  }
0x65: {  	s31 =	simm.s32 $0x1;
	[sflag:s30] =	ssyncpa.u1 $0x1  }
0x66: {  	[sflag:s31] =	ssyncpa.u1 $0x1  }
0x67: {  	p0 =	sne.s32 s0, $0x0;
	_ =	strace $0x9000004A  }
0x68: {  	s0 =	sadd.s32 @!p0 $0x100000, s1;
	[bflag:$0x2] =	sbarrier.arrive $0xFFFF  }
0x69: {  	[sflag:s0] =	ssyncadd.tile.s32 @!p0 $0x1;
	_ =	shalt  }
.Lfunc_end2:
_tile_overlayer_lowered:
.L_overlay_start_2:
0x6a: {  	(tag) =	ssettag $0x2  }
0x6b: {  	s0 =	rddreg [dreg:$0x0];
	s2 =	stileid.u32  }
0x6c: {  	s1 =	rddreg [dreg:$0x1];
	p0 =	sne.s32 s2, $0x0  }
0x6d: {  	s3 =	rddreg [dreg:$0x2];
	[bflag:$0x3] =	sbarrier.arrive $0xFFFF;
	s2 =	simm.s32 @!p0 $0x1C01  }
0x6e: {  	[timem:s3], [sflag:s2] =	dma.local @!p0 [hbm:s0], s1  }
0x6f: {  	s0 =	simm.s32 @!p0 $0x1  }
0x70: {  	_ =	swait.ge @!p0 [sflag:s0], s1  }
0x71: {  	s1 =	ssub.s32 @!p0 $0x0, s1;
	[sflag:s0] =	ssyncset.done @!p0 $0x0  }
0x72: {  	[sflag:s0] =	ssyncadd.s32 @!p0 s1  }
0x73: {  	[bflag:$0x3] =	sbarrier.arrive $0xFFFF  }
0x74: {  	_ =	shalt  }

// kernel: gather_offload_async_start.2
scs
__scs_entry_jumppad:
0x0: {  	(pc) =	sbr.rel $0x88, $3  }
0x1: {  	(tag) =	ssettag $0x0;
	lr =	simm.s32 $0x1  }
0x2: {  	[smem:$0x3F94] =	sst lr;
	_ =	strace $0xD0000000  }
0x3: {  	_ = 	snop  }
0x4: {  	_ = 	snop  }
0x5: {  	_ = 	snop  }
0x6: {  	_ = 	snop  }
0x7: {  	_ = 	snop  }
__scs_overlays_trampoline_lowered:
0x8: {  	[smem:$0x3FA3] =	sst s0  }
0x9: {  	[smem:$0x3FA4] =	sst s1  }
0xa: {  	[smem:$0x3FA5] =	sst s2  }
0xb: {  	[smem:$0x3FA6] =	sst s3  }
0xc: {  	[smem:$0x3FA7] =	sst s4  }
0xd: {  	[smem:$0x3FA8] =	sst s5  }
0xe: {  	[smem:$0x3FA9] =	sst s6  }
0xf: {  	[smem:$0x3FAA] =	sst s7  }
0x10: {  	[smem:$0x3FAB] =	sst s8  }
0x11: {  	[smem:$0x3FAC] =	sst s9;
	s0 =	simm.s32 @!p0 $0x0  }
0x12: {  	s1 =	sld [smem:$0x3F92];
	s0 =	simm.s32 @p0 $0x1  }
0x13: {  	[smem:$0x3FAD] =	sst s0;
	s0 =	simm.s32 @!p1 $0x0  }
0x14: {  	s2 =	sld [smem:$0x3F91];
	s0 =	simm.s32 @p1 $0x1  }
0x15: {  	[smem:$0x3FAE] =	sst s0;
	s0 =	simm.s32 @!p2 $0x0  }
0x16: {  	s3 =	sld [smem:$0x3FDB];
	s0 =	simm.s32 @p2 $0x1  }
0x17: {  	s4 =	simm.s32 $0x1BF5;
	[smem:$0x3FB0] =	sst s0  }
0x18: {  	s0 =	sld [smem:$0x3F93];
	_ =	swait.ge [sflag:s4], $0x0  }
0x19: {  	s7 =	sld [smem:$0x3F94]  }
0x1a: {  	s8 =	sadd.s32 $0xFFFFE003, lr  }
0x1b: {  	s9 =	sadd.s32 $0xFFFFFEF7, lr;
	s5 =	simm.s32 $0xFFFFFFFF;
	p2 =	slt.u32 s8, $0xFFFFF086  }
0x1c: {  	p1 =	slt.u32 s9, $0xF7A;
	s5 =	simm.s32 @!p2 $0x0  }
0x1d: {  	s5 =	simm.s32 @p1 $0x1;
	p0 =	seq.s32 s7, s2  }
0x1e: {  	s7 =	smul.u32 @!p0 $0xF7A, s2;
	p2 =	seq.s32 @!p0 s5, $0x0  }
0x1f: {  	s9 =	smul.u32 $0xF7A, s1;
	s8 =	simm.s32 @!p0 $0x1BF5;
	p2 =	por !p2, p0  }
0x20: {  	[sflag:s8] =	ssyncset.s32 @!p0 $0xFFFFF086;
	s6 =	sadd.s32 @!p0 s3, s7;
	s7 =	simm.s32 @!p0 $0x108  }
0x21: {  	s3 =	sadd.s32 s3, s9;
	s6 =	sadd.s32 @!p0 $0x88, s6;
	s7 =	simm.s32 @p2 $0x1082  }
0x22: {  	[simem:s7], [sflag:s8] =	dma.local @!p0 [hbm:s6], $0xF7A  }
0x23: {  	s9 =	sor.u32 $0xD0000000, s2;
	s6 =	simm.s32 $0x108;
	_ =	swait.ge @!p0 [sflag:s8], $0x0  }
0x24: {  	s3 =	sadd.s32 $0x88, s3;
	s6 =	simm.s32 @!p1 $0x1082;
	[sflag:s4] =	ssyncset.s32 $0xFFFFF086  }
0x25: {  	[simem:s6], [sflag:s4] =	dma.local [hbm:s3], $0xF7A  }
0x26: {  	[smem:$0x3F94] =	sst s1;
	(tag) =	ssettag s2;
	_ =	strace s9  }
0x27: {  	s1 =	sld [smem:$0x3FA4]  }
0x28: {  	s2 =	sld [smem:$0x3FA5]  }
0x29: {  	s4 =	sld [smem:$0x3FA7]  }
0x2a: {  	p0 =	seq.s32 s5, $0x0;
	s5 =	sld [smem:$0x3FA8]  }
0x2b: {  	s6 =	sld [smem:$0x3FA9]  }
0x2c: {  	s7 =	sld [smem:$0x3FAA]  }
0x2d: {  	s3 =	simm.s32 $0x108;
	s8 =	sld [smem:$0x3FAB]  }
0x2e: {  	s3 =	simm.s32 @!p0 $0x1082;
	s9 =	sld [smem:$0x3FAC]  }
0x2f: {  	lr =	sadd.s32 s0, s3;
	s0 =	sld [smem:$0x3FA3]  }
0x30: {  	s3 =	sld [smem:$0x3FA6]  }
0x31: {  	[smem:$0x3FAF] =	sst s10  }
0x32: {  	s10 =	sld [smem:$0x3FAD];
	_ =	sdelay $0x3  }
0x33: {  	p0 =	seq.s32 s10, $0x1;
	s10 =	sld [smem:$0x3FAF];
	_ =	sdelay $0x3  }
0x34: {  	[smem:$0x3FAF] =	sst s10  }
0x35: {  	s10 =	sld [smem:$0x3FAE];
	_ =	sdelay $0x3  }
0x36: {  	p1 =	seq.s32 s10, $0x1;
	s10 =	sld [smem:$0x3FAF];
	_ =	sdelay $0x3  }
0x37: {  	[smem:$0x3FAF] =	sst s10  }
0x38: {  	s10 =	sld [smem:$0x3FB0]  }
0x39: {  	_ = 	snop;
	(pc) =	sbr.ind lr, $3  }
0x3a: {  	_ = 	snop  }
0x3b: {  	_ = 	snop  }
0x3c: {  	p2 =	seq.s32 s10, $0x1;
	s10 =	sld [smem:$0x3FAF]  }
0x3d: {  	_ =	shalt  }
0x3e: {  	_ =	shalt  }
0x3f: {  	_ =	shalt  }
0x40: {  	_ =	shalt  }
0x41: {  	_ =	shalt  }
0x42: {  	_ =	shalt  }
0x43: {  	_ =	shalt  }
0x44: {  	_ =	shalt  }
0x45: {  	_ =	shalt  }
0x46: {  	_ =	shalt  }
0x47: {  	_ =	shalt  }
0x48: {  	_ =	shalt  }
0x49: {  	_ =	shalt  }
0x4a: {  	_ =	shalt  }
0x4b: {  	_ =	shalt  }
0x4c: {  	_ =	shalt  }
0x4d: {  	_ =	shalt  }
0x4e: {  	_ =	shalt  }
0x4f: {  	_ =	shalt  }
0x50: {  	_ =	shalt  }
0x51: {  	_ =	shalt  }
0x52: {  	_ =	shalt  }
0x53: {  	_ =	shalt  }
0x54: {  	_ =	shalt  }
0x55: {  	_ =	shalt  }
0x56: {  	_ =	shalt  }
0x57: {  	_ =	shalt  }
0x58: {  	_ =	shalt  }
0x59: {  	_ =	shalt  }
0x5a: {  	_ =	shalt  }
0x5b: {  	_ =	shalt  }
0x5c: {  	_ =	shalt  }
0x5d: {  	_ =	shalt  }
0x5e: {  	_ =	shalt  }
0x5f: {  	_ =	shalt  }
0x60: {  	_ =	shalt  }
0x61: {  	_ =	shalt  }
0x62: {  	_ =	shalt  }
0x63: {  	_ =	shalt  }
0x64: {  	_ =	shalt  }
0x65: {  	_ =	shalt  }
0x66: {  	_ =	shalt  }
0x67: {  	_ =	shalt  }
0x68: {  	_ =	shalt  }
0x69: {  	_ =	shalt  }
0x6a: {  	_ =	shalt  }
0x6b: {  	_ =	shalt  }
0x6c: {  	_ =	shalt  }
0x6d: {  	_ =	shalt  }
0x6e: {  	_ =	shalt  }
0x6f: {  	_ =	shalt  }
0x70: {  	_ =	shalt  }
0x71: {  	_ =	shalt  }
0x72: {  	_ =	shalt  }
0x73: {  	_ =	shalt  }
0x74: {  	_ =	shalt  }
0x75: {  	_ =	shalt  }
0x76: {  	_ =	shalt  }
0x77: {  	_ =	shalt  }
0x78: {  	_ =	shalt  }
0x79: {  	_ =	shalt  }
0x7a: {  	_ =	shalt  }
0x7b: {  	_ =	shalt  }
0x7c: {  	_ =	shalt  }
0x7d: {  	_ =	shalt  }
0x7e: {  	_ =	shalt  }
0x7f: {  	_ =	shalt  }
0x80: {  	_ =	shalt  }
0x81: {  	_ =	shalt  }
0x82: {  	_ =	shalt  }
0x83: {  	_ =	shalt  }
0x84: {  	_ =	shalt  }
0x85: {  	_ =	shalt  }
0x86: {  	_ =	shalt  }
0x87: {  	_ =	shalt  }
.Lfunc_end0:
.L_simem_size_0:
called_computation.3_lowered:
.L_overlay_start_0:
0x88: {  	s2 =	sld [smem:$0x3FD9]  }
0x89: {  	s3 =	sld [smem:$0x3FFE];
	_ =	sdelay $0x1  }
0x8a: {  	s1 =	srdreg.scid  }
0x8b: {  	s0 =	sand.u32 $0x1, s1  }
0x8c: {  	s15 =	sshll.u32 s0, $0xA;
	s2 =	sadd.s32 s3, s2  }
0x8d: {  	s2 =	sadd.s32 s2, s15  }
0x8e: {  	[smem:$0x3FBB] =	sst s2  }
0x8f: {  	_ = 	snop  }
0x90: {  	s2 =	sld [smem:$0x3FD0];
	_ =	sdelay $0x2  }
0x91: {  	s4 =	simm.s32 $0xB;
	s16 =	simm.s32 $0x10  }
0x92: {  	[smem:s16], [sflag:s4] =	dma.local [hbm:s2], $0x1  }
0x93: {  	_ =	swait.eq [sflag:s4], $0x1  }
0x94: {  	[sflag:s4] =	ssyncset.done $0x0  }
0x95: {  	s17 =	sld [smem:$0x10];
	[sflag:s4] =	ssyncadd.s32 $0xFFFFFFFF  }
0x96: {  	s18 =	sld [smem:$0x11];
	(tm) =	ssettm $0x1  }
0x97: {  	s19 =	sld [smem:$0x3FFB];
	_ =	sdelay $0x3  }
0x98: {  	_ =	strace s19  }
0x99: {  	s2 =	sld [smem:$0x3FFC];
	_ =	sdelay $0x3  }
0x9a: {  	_ =	strace s2  }
0x9b: {  	s2 =	sld [smem:$0x3FFD];
	_ =	sdelay $0x3  }
0x9c: {  	_ =	strace s2  }
0x9d: {  	_ =	strace $0x8FFFFFFF  }
0x9e: {  	s20 =	sld [smem:$0x3FDB];
	_ =	sdelay $0x1  }
0x9f: {  	s5 =	simm.s32 $_scs_section_size  }
0xa0: {  	s6 =	simm.s32 $_size__tile_overlayer_lowered;
	s7 =	simm.s32 $_tile_overlayer_lowered  }
0xa1: {  	s8 =	simm.s32 $0x1BFF;
	s21 =	sshll.u32 s7, $0x1;
	s5 =	sadd.s32 s5, s20  }
0xa2: {  	s22 =	simm.s32 $0x0;
	s6 =	sshll.u32 s6, $0x1;
	s7 =	sadd.s32 s21, s5  }
0xa3: {  	[timem:s22], [sflag:s8] =	dma.local [hbm:s7], s6  }
0xa4: {  	_ =	swait.ge [sflag:s8], s6  }
0xa5: {  	s6 =	ssub.s32 $0x0, s6;
	[sflag:s8] =	ssyncset.done $0x0  }
0xa6: {  	[sflag:s8] =	ssyncadd.s32 s6;
	_ =	sdelay $0x1  }
0xa7: {  	s23 =	simm.s32 $0x1B8B  }
0xa8: {  	_ =	swait.ge [sflag:s23], $0x1  }
0xa9: {  	[sflag:s23] =	ssyncset.done $0x0  }
0xaa: {  	[sflag:s23] =	ssyncadd.s32 $0xFFFFFFFF  }
0xab: {  	s6 =	sld [smem:$0x0]  }
0xac: {  	s7 =	sand.u32 $0xFFFFFFFE, s1  }
0xad: {  	p0 =	sne.s32 s1, s7  }
0xae: {  	s7 =	sshll.u32 @p0 s7, $0xE  }
0xaf: {  	s7 =	sadd.s32 @p0 $0x11B8D, s7;
	s8 =	sshll.u32 @p0 s6, $0x11  }
0xb0: {  	s7 =	sor.u32 @p0 s8, s7  }
0xb1: {  	[sflag:s7] =	ssyncadd.remote.s32 @p0 $0x1;
	_ =	sdelay $0x1  }
0xb2: {  	s7 =	simm.s32 @p0 $0x1B8D  }
0xb3: {  	_ =	swait.eq @p0 [sflag:s7], $0x1  }
0xb4: {  	[sflag:s7] =	ssyncadd.s32 @p0 $0xFFFFFFFF  }
0xb5: {  	s8 =	sshll.u32 @!p0 s1, $0xE  }
0xb6: {  	s8 =	sor.u32 @!p0 $0x4000, s8;
	s7 =	simm.s32 @!p0 $0x1B8D  }
0xb7: {  	s6 =	sshll.u32 @!p0 s6, $0x11;
	s8 =	sadd.s32 @!p0 $0x11B8D, s8;
	_ =	swait.eq @!p0 [sflag:s7], $0x1  }
0xb8: {  	s6 =	sor.u32 @!p0 s6, s8;
	[sflag:s7] =	ssyncadd.s32 @!p0 $0xFFFFFFFF  }
0xb9: {  	s25 =	simm.s32 $0x1B8E;
	s24 =	sld [smem:$0x3FFE];
	[sflag:s6] =	ssyncadd.remote.s32 @!p0 $0x1  }
0xba: {  	s26 =	simm.s32 $execute0_lowered;
	[smem:$0x3FD2] =	sst s25  }
0xbb: {  	s7 =	sshll.u32 s26, $0x1;
	_ =	strace $0x8000004F;
	[dreg:$0x1] =	wrdreg $0xFFFFFFFF  }
0xbc: {  	s28 =	simm.s32 $_size_execute0_lowered;
	s5 =	sadd.s32 s5, s7;
	[dreg:$0x0] =	wrdreg $0x0  }
0xbd: {  	s7 =	sshll.u32 s28, $0x1;
	[dreg:$0x2] =	wrdreg s5  }
0xbe: {  	[dreg:$0x3] =	wrdreg s7  }
0xbf: {  	[dreg:$0x4] =	wrdreg $0xC0  }
0xc0: {  	_ =	task [dreg:s22], $0x5FFFF  }
0xc1: {  	[dreg:$0x1] =	wrdreg $0xFFFFFFFF  }
0xc2: {  	[dreg:$0x0] =	wrdreg $0x60  }
0xc3: {  	[dreg:$0x2] =	wrdreg s17  }
0xc4: {  	[dreg:$0x3] =	wrdreg s18  }
0xc5: {  	[dreg:$0x4] =	wrdreg s24  }
0xc6: {  	[dreg:$0x5] =	wrdreg $0x9  }
0xc7: {  	_ =	task.clear_ibuf [dreg:s22], $0x6FFFF;
	_ =	strace $0x9000004F  }
0xc8: {  	s29 =	simm.s32 $0x9;
	_ =	strace $0x80000051  }
0xc9: {  	_ =	swait.ge [sflag:s29], $0x1  }
0xca: {  	[sflag:s29] =	ssyncadd.s32 $0xFFFFFFFF  }
0xcb: {  	_ =	strace $0x90000051  }
0xcc: {  	_ =	sfence  }
0xcd: {  	s30 =	sld [smem:$0x0];
	_ =	sdelay $0x2  }
0xce: {  	s31 =	sshll.u32 s1, $0xD;
	s1 =	sshrl.u32 s1, $0x2  }
0xcf: {  	s4 =	sand.u32 $0x4000, s31;
	s1 =	sadd.s32 s1, s30  }
0xd0: {  	s0 =	sor.u32 s4, s0;
	s1 =	sshll.u32 s1, $0x11  }
0xd1: {  	s0 =	sor.u32 s1, s0  }
0xd2: {  	s0 =	sadd.s32 $0x8F2B, s0  }
0xd3: {  	[sflag:s0] =	ssyncadd.remote.s32 $0x1  }
0xd4: {  	_ =	sfence.sel $0xFFFF  }
0xd5: {  	[dreg:$0x0] =	wrdreg $0xFFFFFFFF;
	(pc) =	sbr.abs _section_cstart, $3  }
0xd6: {  	[dreg:$0x1] =	wrdreg $0xFFFFFFFF  }
0xd7: {  	_ =	task.clear_ibuf [dreg:s22], $0x2FFFF;
	_ =	strace $0x9FFFFFFF  }
0xd8: {  	(tm) =	ssettm $0x7FFFFFFF  }
0xd9: {  	_ =	shalt  }
tec
execute0_lowered:
.L_overlay_start_1:
0x0: {  	(tag) =	ssettag $0x1  }
0x1: {  	s1 =	srdreg.scid;
	s2 =	rddreg [dreg:$0x0]  }
0x2: {  	s0 =	stileid.u32;
	s3 =	rddreg [dreg:$0x1]  }
0x3: {  	s8 =	rddreg [dreg:$0x2];
	s5 =	simm.s32 $0x1;
	s1 =	sshll.u32 s1, $0x5  }
0x4: {  	s9 =	simm.s32 $0x1;
	s4 =	sshll.u32 s0, $0x6;
	s1 =	sand.u32 $0x20, s1  }
0x5: {  	s10 =	simm.s32 $0x3;
	s13 =	simm.s32 $0x0;
	s4 =	sor.u32 s4, s1  }
0x6: {  	s12 =	simm.s32 $0x0;
	s1 =	rddreg [dreg:$0x3];
	s7 =	ssub.s32 $0x800, s4  }
.Ltmp0:
0x7: {  	_ =	strace $0x80000050;
	s6 =	sand.u32 $0x3E0, s7;
	(pc) =	sbr.rel .LBB2_1-.Ltmp0, $4  }
0x8: {  	s8 =	sadd.s32 $0x80400, s8;
	[sflag:s5] =	ssyncpa.u1 $0x0;
	p0 =	sne.s32 s6, $0x0  }
0x9: {  	s7 =	sshrl.u32 s7, $0xA;
	s6 =	simm.s32 $0x2;
	s9 =	simm.s32 @!p0 $0x0  }
0xa: {  	s11 =	smov.u32 s4;
	[sflag:s6] =	ssyncpa.u1 $0x0;
	s7 =	sadd.s32 s9, s7  }
0xb: {  	vm0 =	vmmov $0xffff;
	[sflag:s10] =	ssyncpa.u1 $0x0;
	s10 =	simm.s32 $0x0;
	s9 =	sadd.s32 $0x1, s7  }
.LBB2_5:
0xc: {  	s15 =	sadd.s32 $0x400, s11  }
0xd: {  	p1 =	sgt.s32 s15, $0x7FF  }
0xe: {  	s15 =	smov.u32 @p1 s4;
	p1 =	sne.s32 s12, s9  }
.Ltmp1:
0xf: {  	p0 =	slt.u32 s12, $0x2;
	(pc) =	sbr.rel @!p1 .LBB2_6-.Ltmp1, $4  }
0x10: {  	s14 =	simm.s32 @!p0 $0x3  }
0x11: {  	_ =	swait.ge @!p0 [sflag:s14], $0x20  }
0x12: {  	s16 =	sadd.s32 $0x1, s12;
	s13 =	smov.u32 s11;
	[sflag:s14] =	ssyncset.done @!p0 $0x0  }
0x13: {  	s12 =	smov.u32 s16;
	s11 =	smov.u32 s15;
	[sflag:s14] =	ssyncadd.s32 @!p0 $0xFFFFFFE0  }
.LBB2_1:
0x14: {  	p0 =	sge.u32 s12, s7  }
0x15: {  	s14 =	sxor.u32 @!p0 $0xFFFFFFFF, s12  }
0x16: {  	s31 =	sadd.s32 $0xFFFFFFFF, s12;
	s15 =	sshrl.u32 @!p0 s11, $0x3;
	s14 =	sshll.u32 @!p0 s14, $0x5  }
0x17: {  	s16 =	sand.u32 @!p0 $0x7, s11;
	s15 =	sadd.s32 @!p0 s3, s15;
	s14 =	sand.u32 @!p0 $0x20, s14  }
0x18: {  	[tilespmem:s14], [sflag:$0x2] =	stream.linear.gather @!p0 [hbm4b:s15+s16], $0x20, $0x38;
	[tilespmem:$0x80] =	vst v63  }
0x19: {  	p0 =	sge.u32 s31, s7  }
.Ltmp2:
0x1a: {  	_ = 	snop;
	(pc) =	sbr.rel @p0 .LBB2_5-.Ltmp2, $1  }
0x1b: {  	_ =	sdelay $0x3  }
0x1c: {  	_ =	swait.ge [sflag:s6], $0x20;
	s14 =	sshll.u32 s12, $0x5;
	s16 =	simm.s32 $0x0  }
0x1d: {  	p0 =	por $0x1, $0x1;
	[sflag:s6] =	ssyncset.done $0x0;
	s15 =	sand.u32 $0x20, s14  }
0x1e: {  	[sflag:s6] =	ssyncadd.s32 $0xFFFFFFE0;
	(ifvalue) =	ssetifvalue $0x7FFFFFFF;
	s14 =	sor.u32 $0x40, s15  }
.LBB2_3:
0x1f: {  	s17 =	sadd.s32 s16, s15  }
0x20: {  	v0 =	vld.msk [tilespmem:s17+$0x0 ss:$0x1], $0xffff;
	_ =	sdelay $0x4  }
0x21: {  	v1 =	vshrl.u32 v0, $0x2  }
0x22: {  	vm1 =	veq.s32 v0, $0x80000000;
	v1 =	vand.u32 $0x1FF, v1  }
0x23: {  	v0 =	vand.u32 $0x3, v0;
	v1 =	vsel vm1, $0xFFFFFFFF, v1  }
0x24: {  	v0 =	vsel vm1, $0xFFFFFFFF, v0;
	v2 =	vshll.u32 v1, $0x2  }
0x25: {  	v3 =	vand.u32 $0xFFFFF800, v0;
	v0 =	vshll.u32 v0, $0x7;
	v2 =	vand.u32 $0xFFFFFE00, v2  }
0x26: {  	v0 =	vand.u32 $0x180, v0;
	v2 =	vadd.s32 v3, v2  }
0x27: {  	v1 =	vand.u32 $0x7F, v1;
	v0 =	vor.u32 v0, v2  }
0x28: {  	p1 =	por p0, p0;
	v0 =	vor.u32 v1, v0  }
.Ltmp3:
0x29: {  	_ = 	snop;
	(pc) =	sbr.rel @p1 .LBB2_3-.Ltmp3, $4  }
0x2a: {  	_ = 	snop  }
0x2b: {  	s31 =	sadd.s32 s16, s14  }
0x2c: {  	s16 =	simm.s32 $0x10;
	p0 =	por $0x0, $0x0;
	(ifvalue) =	ssetifvalue $0x7FFFFFFF  }
0x2d: {  	[tilespmem:s31], [sflag:$0x1] =	stream.indirect_vreg.gather [hbm4b:s2+s10], $0x1, v0, vm0, $0x4038;
	[tilespmem:$0x80] =	vst v63  }
.Ltmp4:
0x2e: {  	(pc) =	sbr.rel .LBB2_5-.Ltmp4, $4  }
0x2f: {  	_ =	swait.ge [sflag:s5], $0x20  }
0x30: {  	s15 =	sshrl.u32 s13, $0x3;
	[sflag:s5] =	ssyncset.done $0x0  }
0x31: {  	s31 =	sand.u32 $0x7, s13;
	s15 =	sadd.s32 s8, s15;
	[sflag:s5] =	ssyncadd.s32 $0xFFFFFFE0  }
0x32: {  	[hbm4b:s15+s31] =	stream.linear.scatter [tilespmem:s14], [sflag:$0x3], $0x20, $0x38;
	[tilespmem:$0x80] =	vst v63  }
.LBB2_6:
0x33: {  	_ =	sfence.sel $0x180000  }
0x34: {  	s2 =	simm.s32 $0x2;
	[bflag:$0x0] =	sbarrier.arrive $0xFFFF  }
0x35: {  	s30 =	simm.s32 $0x3;
	[sflag:s2] =	ssyncpa.u1 $0x1  }
0x36: {  	s31 =	simm.s32 $0x1;
	[sflag:s30] =	ssyncpa.u1 $0x1  }
0x37: {  	[sflag:s31] =	ssyncpa.u1 $0x1  }
0x38: {  	p0 =	sne.s32 s0, $0x0;
	_ =	strace $0x90000050  }
0x39: {  	s0 =	sadd.s32 @!p0 $0x100000, s1;
	[bflag:$0x2] =	sbarrier.arrive $0xFFFF  }
0x3a: {  	[sflag:s0] =	ssyncadd.tile.s32 @!p0 $0x1;
	_ =	shalt  }
.Lfunc_end2:
_tile_overlayer_lowered:
.L_overlay_start_2:
0x3b: {  	(tag) =	ssettag $0x2  }
0x3c: {  	s0 =	rddreg [dreg:$0x0];
	s2 =	stileid.u32  }
0x3d: {  	s1 =	rddreg [dreg:$0x1];
	p0 =	sne.s32 s2, $0x0  }
0x3e: {  	s3 =	rddreg [dreg:$0x2];
	[bflag:$0x3] =	sbarrier.arrive $0xFFFF;
	s2 =	simm.s32 @!p0 $0x1C01  }
0x3f: {  	[timem:s3], [sflag:s2] =	dma.local @!p0 [hbm:s0], s1  }
0x40: {  	s0 =	simm.s32 @!p0 $0x1  }
0x41: {  	_ =	swait.ge @!p0 [sflag:s0], s1  }
0x42: {  	s1 =	ssub.s32 @!p0 $0x0, s1;
	[sflag:s0] =	ssyncset.done @!p0 $0x0  }
0x43: {  	[sflag:s0] =	ssyncadd.s32 @!p0 s1  }
0x44: {  	[bflag:$0x3] =	sbarrier.arrive $0xFFFF  }
0x45: {  	_ =	shalt  }

// kernel: gather_offload_async_start.3
scs
__scs_entry_jumppad:
0x0: {  	(pc) =	sbr.rel $0x88, $3  }
0x1: {  	(tag) =	ssettag $0x0;
	lr =	simm.s32 $0x1  }
0x2: {  	[smem:$0x3F94] =	sst lr;
	_ =	strace $0xD0000000  }
0x3: {  	_ = 	snop  }
0x4: {  	_ = 	snop  }
0x5: {  	_ = 	snop  }
0x6: {  	_ = 	snop  }
0x7: {  	_ = 	snop  }
__scs_overlays_trampoline_lowered:
0x8: {  	[smem:$0x3FA3] =	sst s0  }
0x9: {  	[smem:$0x3FA4] =	sst s1  }
0xa: {  	[smem:$0x3FA5] =	sst s2  }
0xb: {  	[smem:$0x3FA6] =	sst s3  }
0xc: {  	[smem:$0x3FA7] =	sst s4  }
0xd: {  	[smem:$0x3FA8] =	sst s5  }
0xe: {  	[smem:$0x3FA9] =	sst s6  }
0xf: {  	[smem:$0x3FAA] =	sst s7  }
0x10: {  	[smem:$0x3FAB] =	sst s8  }
0x11: {  	[smem:$0x3FAC] =	sst s9;
	s0 =	simm.s32 @!p0 $0x0  }
0x12: {  	s1 =	sld [smem:$0x3F92];
	s0 =	simm.s32 @p0 $0x1  }
0x13: {  	[smem:$0x3FAD] =	sst s0;
	s0 =	simm.s32 @!p1 $0x0  }
0x14: {  	s2 =	sld [smem:$0x3F91];
	s0 =	simm.s32 @p1 $0x1  }
0x15: {  	[smem:$0x3FAE] =	sst s0;
	s0 =	simm.s32 @!p2 $0x0  }
0x16: {  	s3 =	sld [smem:$0x3FDB];
	s0 =	simm.s32 @p2 $0x1  }
0x17: {  	s4 =	simm.s32 $0x1BF5;
	[smem:$0x3FB0] =	sst s0  }
0x18: {  	s0 =	sld [smem:$0x3F93];
	_ =	swait.ge [sflag:s4], $0x0  }
0x19: {  	s7 =	sld [smem:$0x3F94]  }
0x1a: {  	s8 =	sadd.s32 $0xFFFFE003, lr  }
0x1b: {  	s9 =	sadd.s32 $0xFFFFFEF7, lr;
	s5 =	simm.s32 $0xFFFFFFFF;
	p2 =	slt.u32 s8, $0xFFFFF086  }
0x1c: {  	p1 =	slt.u32 s9, $0xF7A;
	s5 =	simm.s32 @!p2 $0x0  }
0x1d: {  	s5 =	simm.s32 @p1 $0x1;
	p0 =	seq.s32 s7, s2  }
0x1e: {  	s7 =	smul.u32 @!p0 $0xF7A, s2;
	p2 =	seq.s32 @!p0 s5, $0x0  }
0x1f: {  	s9 =	smul.u32 $0xF7A, s1;
	s8 =	simm.s32 @!p0 $0x1BF5;
	p2 =	por !p2, p0  }
0x20: {  	[sflag:s8] =	ssyncset.s32 @!p0 $0xFFFFF086;
	s6 =	sadd.s32 @!p0 s3, s7;
	s7 =	simm.s32 @!p0 $0x108  }
0x21: {  	s3 =	sadd.s32 s3, s9;
	s6 =	sadd.s32 @!p0 $0x88, s6;
	s7 =	simm.s32 @p2 $0x1082  }
0x22: {  	[simem:s7], [sflag:s8] =	dma.local @!p0 [hbm:s6], $0xF7A  }
0x23: {  	s9 =	sor.u32 $0xD0000000, s2;
	s6 =	simm.s32 $0x108;
	_ =	swait.ge @!p0 [sflag:s8], $0x0  }
0x24: {  	s3 =	sadd.s32 $0x88, s3;
	s6 =	simm.s32 @!p1 $0x1082;
	[sflag:s4] =	ssyncset.s32 $0xFFFFF086  }
0x25: {  	[simem:s6], [sflag:s4] =	dma.local [hbm:s3], $0xF7A  }
0x26: {  	[smem:$0x3F94] =	sst s1;
	(tag) =	ssettag s2;
	_ =	strace s9  }
0x27: {  	s1 =	sld [smem:$0x3FA4]  }
0x28: {  	s2 =	sld [smem:$0x3FA5]  }
0x29: {  	s4 =	sld [smem:$0x3FA7]  }
0x2a: {  	p0 =	seq.s32 s5, $0x0;
	s5 =	sld [smem:$0x3FA8]  }
0x2b: {  	s6 =	sld [smem:$0x3FA9]  }
0x2c: {  	s7 =	sld [smem:$0x3FAA]  }
0x2d: {  	s3 =	simm.s32 $0x108;
	s8 =	sld [smem:$0x3FAB]  }
0x2e: {  	s3 =	simm.s32 @!p0 $0x1082;
	s9 =	sld [smem:$0x3FAC]  }
0x2f: {  	lr =	sadd.s32 s0, s3;
	s0 =	sld [smem:$0x3FA3]  }
0x30: {  	s3 =	sld [smem:$0x3FA6]  }
0x31: {  	[smem:$0x3FAF] =	sst s10  }
0x32: {  	s10 =	sld [smem:$0x3FAD];
	_ =	sdelay $0x3  }
0x33: {  	p0 =	seq.s32 s10, $0x1;
	s10 =	sld [smem:$0x3FAF];
	_ =	sdelay $0x3  }
0x34: {  	[smem:$0x3FAF] =	sst s10  }
0x35: {  	s10 =	sld [smem:$0x3FAE];
	_ =	sdelay $0x3  }
0x36: {  	p1 =	seq.s32 s10, $0x1;
	s10 =	sld [smem:$0x3FAF];
	_ =	sdelay $0x3  }
0x37: {  	[smem:$0x3FAF] =	sst s10  }
0x38: {  	s10 =	sld [smem:$0x3FB0]  }
0x39: {  	_ = 	snop;
	(pc) =	sbr.ind lr, $3  }
0x3a: {  	_ = 	snop  }
0x3b: {  	_ = 	snop  }
0x3c: {  	p2 =	seq.s32 s10, $0x1;
	s10 =	sld [smem:$0x3FAF]  }
0x3d: {  	_ =	shalt  }
0x3e: {  	_ =	shalt  }
0x3f: {  	_ =	shalt  }
0x40: {  	_ =	shalt  }
0x41: {  	_ =	shalt  }
0x42: {  	_ =	shalt  }
0x43: {  	_ =	shalt  }
0x44: {  	_ =	shalt  }
0x45: {  	_ =	shalt  }
0x46: {  	_ =	shalt  }
0x47: {  	_ =	shalt  }
0x48: {  	_ =	shalt  }
0x49: {  	_ =	shalt  }
0x4a: {  	_ =	shalt  }
0x4b: {  	_ =	shalt  }
0x4c: {  	_ =	shalt  }
0x4d: {  	_ =	shalt  }
0x4e: {  	_ =	shalt  }
0x4f: {  	_ =	shalt  }
0x50: {  	_ =	shalt  }
0x51: {  	_ =	shalt  }
0x52: {  	_ =	shalt  }
0x53: {  	_ =	shalt  }
0x54: {  	_ =	shalt  }
0x55: {  	_ =	shalt  }
0x56: {  	_ =	shalt  }
0x57: {  	_ =	shalt  }
0x58: {  	_ =	shalt  }
0x59: {  	_ =	shalt  }
0x5a: {  	_ =	shalt  }
0x5b: {  	_ =	shalt  }
0x5c: {  	_ =	shalt  }
0x5d: {  	_ =	shalt  }
0x5e: {  	_ =	shalt  }
0x5f: {  	_ =	shalt  }
0x60: {  	_ =	shalt  }
0x61: {  	_ =	shalt  }
0x62: {  	_ =	shalt  }
0x63: {  	_ =	shalt  }
0x64: {  	_ =	shalt  }
0x65: {  	_ =	shalt  }
0x66: {  	_ =	shalt  }
0x67: {  	_ =	shalt  }
0x68: {  	_ =	shalt  }
0x69: {  	_ =	shalt  }
0x6a: {  	_ =	shalt  }
0x6b: {  	_ =	shalt  }
0x6c: {  	_ =	shalt  }
0x6d: {  	_ =	shalt  }
0x6e: {  	_ =	shalt  }
0x6f: {  	_ =	shalt  }
0x70: {  	_ =	shalt  }
0x71: {  	_ =	shalt  }
0x72: {  	_ =	shalt  }
0x73: {  	_ =	shalt  }
0x74: {  	_ =	shalt  }
0x75: {  	_ =	shalt  }
0x76: {  	_ =	shalt  }
0x77: {  	_ =	shalt  }
0x78: {  	_ =	shalt  }
0x79: {  	_ =	shalt  }
0x7a: {  	_ =	shalt  }
0x7b: {  	_ =	shalt  }
0x7c: {  	_ =	shalt  }
0x7d: {  	_ =	shalt  }
0x7e: {  	_ =	shalt  }
0x7f: {  	_ =	shalt  }
0x80: {  	_ =	shalt  }
0x81: {  	_ =	shalt  }
0x82: {  	_ =	shalt  }
0x83: {  	_ =	shalt  }
0x84: {  	_ =	shalt  }
0x85: {  	_ =	shalt  }
0x86: {  	_ =	shalt  }
0x87: {  	_ =	shalt  }
.Lfunc_end0:
.L_simem_size_0:
called_computation.4_lowered:
.L_overlay_start_0:
0x88: {  	s2 =	sld [smem:$0x3FD9]  }
0x89: {  	s3 =	sld [smem:$0x3FFE];
	_ =	sdelay $0x1  }
0x8a: {  	s1 =	srdreg.scid  }
0x8b: {  	s0 =	sand.u32 $0x1, s1  }
0x8c: {  	s16 =	sshll.u32 s0, $0xA;
	s2 =	sadd.s32 s3, s2  }
0x8d: {  	s2 =	sadd.s32 s2, s16  }
0x8e: {  	[smem:$0x3FBB] =	sst s2  }
0x8f: {  	_ = 	snop  }
0x90: {  	(tm) =	ssettm $0x1  }
0x91: {  	s17 =	sld [smem:$0x3FFB];
	_ =	sdelay $0x3  }
0x92: {  	_ =	strace s17  }
0x93: {  	s2 =	sld [smem:$0x3FFC];
	_ =	sdelay $0x3  }
0x94: {  	_ =	strace s2  }
0x95: {  	s2 =	sld [smem:$0x3FFD];
	_ =	sdelay $0x3  }
0x96: {  	_ =	strace s2  }
0x97: {  	_ =	strace $0x8FFFFFFF  }
0x98: {  	s18 =	sld [smem:$0x3FDB];
	_ =	sdelay $0x1  }
0x99: {  	s19 =	simm.s32 $_scs_section_size  }
0x9a: {  	s4 =	simm.s32 $_size__tile_overlayer_lowered;
	s5 =	simm.s32 $_tile_overlayer_lowered  }
0x9b: {  	s22 =	simm.s32 $0x1BFF;
	s21 =	sshll.u32 s5, $0x1;
	s2 =	sadd.s32 s19, s18  }
0x9c: {  	s6 =	simm.s32 $0x0;
	s20 =	sshll.u32 s4, $0x1;
	s4 =	sadd.s32 s21, s2  }
0x9d: {  	[timem:s6], [sflag:s22] =	dma.local [hbm:s4], s20  }
0x9e: {  	_ =	swait.ge [sflag:s22], s20  }
0x9f: {  	s3 =	ssub.s32 $0x0, s20;
	[sflag:s22] =	ssyncset.done $0x0  }
0xa0: {  	[sflag:s22] =	ssyncadd.s32 s3;
	_ =	sdelay $0x1  }
0xa1: {  	s23 =	simm.s32 $0x1B8B  }
0xa2: {  	_ =	swait.ge [sflag:s23], $0x1  }
0xa3: {  	[sflag:s23] =	ssyncset.done $0x0  }
0xa4: {  	s25 =	simm.s32 $0x1B8E;
	s24 =	sld [smem:$0x3FFE];
	[sflag:s23] =	ssyncadd.s32 $0xFFFFFFFF  }
0xa5: {  	s26 =	simm.s32 $execute0_lowered;
	[smem:$0x3FD2] =	sst s25  }
0xa6: {  	s4 =	sshll.u32 s26, $0x1;
	_ =	strace $0x8000004C;
	[dreg:$0x1] =	wrdreg $0xFFFFFFFF  }
0xa7: {  	s28 =	simm.s32 $_size_execute0_lowered;
	s2 =	sadd.s32 s2, s4;
	[dreg:$0x0] =	wrdreg $0x0  }
0xa8: {  	s4 =	sshll.u32 s28, $0x1;
	[dreg:$0x2] =	wrdreg s2  }
0xa9: {  	[dreg:$0x3] =	wrdreg s4  }
0xaa: {  	[dreg:$0x4] =	wrdreg $0xC0  }
0xab: {  	_ =	task [dreg:s6], $0x5FFFF  }
0xac: {  	[dreg:$0x1] =	wrdreg $0xFFFFFFFF  }
0xad: {  	[dreg:$0x0] =	wrdreg $0x60  }
0xae: {  	[dreg:$0x2] =	wrdreg s24  }
0xaf: {  	[dreg:$0x3] =	wrdreg $0xA  }
0xb0: {  	_ =	task.clear_ibuf [dreg:s6], $0x4FFFF;
	_ =	strace $0x9000004C  }
0xb1: {  	s29 =	simm.s32 $0xA;
	_ =	strace $0x8000004E  }
0xb2: {  	_ =	swait.ge [sflag:s29], $0x1  }
0xb3: {  	[sflag:s29] =	ssyncadd.s32 $0xFFFFFFFF  }
0xb4: {  	_ =	strace $0x9000004E  }
0xb5: {  	_ =	sfence  }
0xb6: {  	s30 =	sld [smem:$0x0];
	_ =	sdelay $0x2  }
0xb7: {  	s31 =	sshll.u32 s1, $0xD;
	s1 =	sshrl.u32 s1, $0x2  }
0xb8: {  	s3 =	sand.u32 $0x4000, s31;
	s1 =	sadd.s32 s1, s30  }
0xb9: {  	s0 =	sor.u32 s3, s0;
	s1 =	sshll.u32 s1, $0x11  }
0xba: {  	s0 =	sor.u32 s1, s0  }
0xbb: {  	s0 =	sadd.s32 $0x8F2B, s0  }
0xbc: {  	[sflag:s0] =	ssyncadd.remote.s32 $0x1  }
0xbd: {  	_ =	sfence.sel $0xFFFF  }
0xbe: {  	[dreg:$0x0] =	wrdreg $0xFFFFFFFF;
	(pc) =	sbr.abs _section_cstart, $3  }
0xbf: {  	[dreg:$0x1] =	wrdreg $0xFFFFFFFF  }
0xc0: {  	_ =	task.clear_ibuf [dreg:s6], $0x2FFFF;
	_ =	strace $0x9FFFFFFF  }
0xc1: {  	(tm) =	ssettm $0x7FFFFFFF  }
tec
execute0_lowered:
.L_overlay_start_1:
0x0: {  	(tag) =	ssettag $0x1  }
0x1: {  	s1 =	srdreg.scid  }
0x2: {  	s0 =	stileid.u32;
	s8 =	rddreg [dreg:$0x0];
	s5 =	simm.s32 $0x1  }
0x3: {  	s9 =	simm.s32 $0x1;
	s10 =	simm.s32 $0x3;
	s1 =	sshll.u32 s1, $0x5  }
0x4: {  	s13 =	simm.s32 $0x0;
	s2 =	sshll.u32 s0, $0x6;
	s3 =	sand.u32 $0x20, s1  }
0x5: {  	s12 =	simm.s32 $0x0;
	s4 =	sadd.s32 $0x80000, s8;
	s2 =	sor.u32 s2, s3  }
0x6: {  	s1 =	rddreg [dreg:$0x1];
	_ =	strace $0x8000004D;
	s7 =	ssub.s32 $0x800, s2  }
.Ltmp0:
0x7: {  	s3 =	sadd.s32 $0xF9200, s8;
	s6 =	sand.u32 $0x3E0, s7;
	(pc) =	sbr.rel .LBB2_1-.Ltmp0, $4  }
0x8: {  	[sflag:s5] =	ssyncpa.u1 $0x0;
	s8 =	sadd.s32 $0x80200, s8;
	p0 =	sne.s32 s6, $0x0  }
0x9: {  	s7 =	sshrl.u32 s7, $0xA;
	s6 =	simm.s32 $0x2;
	s9 =	simm.s32 @!p0 $0x0  }
0xa: {  	s11 =	smov.u32 s2;
	[sflag:s6] =	ssyncpa.u1 $0x0;
	s7 =	sadd.s32 s9, s7  }
0xb: {  	vm0 =	vmmov $0xffff;
	[sflag:s10] =	ssyncpa.u1 $0x0;
	s10 =	simm.s32 $0x0;
	s9 =	sadd.s32 $0x1, s7  }
.LBB2_5:
0xc: {  	s15 =	sadd.s32 $0x400, s11  }
0xd: {  	p1 =	sgt.s32 s15, $0x7FF  }
0xe: {  	s15 =	smov.u32 @p1 s2;
	p1 =	sne.s32 s12, s9  }
.Ltmp1:
0xf: {  	p0 =	slt.u32 s12, $0x2;
	(pc) =	sbr.rel @!p1 .LBB2_6-.Ltmp1, $4  }
0x10: {  	s14 =	simm.s32 @!p0 $0x3  }
0x11: {  	_ =	swait.ge @!p0 [sflag:s14], $0x20  }
0x12: {  	s16 =	sadd.s32 $0x1, s12;
	s13 =	smov.u32 s11;
	[sflag:s14] =	ssyncset.done @!p0 $0x0  }
0x13: {  	s12 =	smov.u32 s16;
	s11 =	smov.u32 s15;
	[sflag:s14] =	ssyncadd.s32 @!p0 $0xFFFFFFE0  }
.LBB2_1:
0x14: {  	p0 =	sge.u32 s12, s7  }
0x15: {  	s14 =	sxor.u32 @!p0 $0xFFFFFFFF, s12  }
0x16: {  	s31 =	sadd.s32 $0xFFFFFFFF, s12;
	s15 =	sshrl.u32 @!p0 s11, $0x3;
	s14 =	sshll.u32 @!p0 s14, $0x5  }
0x17: {  	s16 =	sand.u32 @!p0 $0x7, s11;
	s15 =	sadd.s32 @!p0 s4, s15;
	s14 =	sand.u32 @!p0 $0x20, s14  }
0x18: {  	[tilespmem:s14], [sflag:$0x2] =	stream.linear.gather @!p0 [hbm4b:s15+s16], $0x20, $0x38;
	[tilespmem:$0x80] =	vst v63  }
0x19: {  	p0 =	sge.u32 s31, s7  }
.Ltmp2:
0x1a: {  	_ = 	snop;
	(pc) =	sbr.rel @p0 .LBB2_5-.Ltmp2, $1  }
0x1b: {  	_ =	sdelay $0x3  }
0x1c: {  	_ =	swait.ge [sflag:s6], $0x20;
	s14 =	sshll.u32 s12, $0x5;
	s16 =	simm.s32 $0x0  }
0x1d: {  	p0 =	por $0x1, $0x1;
	[sflag:s6] =	ssyncset.done $0x0;
	s15 =	sand.u32 $0x20, s14  }
0x1e: {  	[sflag:s6] =	ssyncadd.s32 $0xFFFFFFE0;
	(ifvalue) =	ssetifvalue $0x7FFFFFFF;
	s14 =	sor.u32 $0x40, s15  }
.LBB2_3:
0x1f: {  	s17 =	sadd.s32 s16, s15  }
0x20: {  	v0 =	vld.msk [tilespmem:s17+$0x0 ss:$0x1], $0xffff;
	_ =	sdelay $0x4  }
0x21: {  	vm1 =	veq.s32 v0, $0x80000000;
	v1 =	vand.u32 $0x3, v0;
	v0 =	vshrl.u32 v0, $0x2  }
0x22: {  	v1 =	vsel vm1, $0xFFFFFFFF, v1;
	v0 =	vand.u32 $0x1FFF, v0  }
0x23: {  	v0 =	vsel vm1, $0xFFFFFFFF, v0;
	v2 =	vshrl.u32 v1, $0x2  }
0x24: {  	v2 =	vmul.u32 $0x7800, v2;
	v3 =	vshll.u32 v0, $0x2  }
0x25: {  	v1 =	vshll.u32 v1, $0x7;
	v3 =	vand.u32 $0xFFFFFE00, v3  }
0x26: {  	v1 =	vand.u32 $0x180, v1;
	v2 =	vadd.s32 v2, v3  }
0x27: {  	v0 =	vand.u32 $0x7F, v0;
	v1 =	vor.u32 v1, v2  }
0x28: {  	p1 =	por p0, p0;
	v0 =	vor.u32 v0, v1  }
.Ltmp3:
0x29: {  	_ = 	snop;
	(pc) =	sbr.rel @p1 .LBB2_3-.Ltmp3, $4  }
0x2a: {  	_ = 	snop  }
0x2b: {  	s31 =	sadd.s32 s16, s14  }
0x2c: {  	s16 =	simm.s32 $0x10;
	p0 =	por $0x0, $0x0;
	(ifvalue) =	ssetifvalue $0x7FFFFFFF  }
0x2d: {  	[tilespmem:s31], [sflag:$0x1] =	stream.indirect_vreg.gather [hbm4b:s3+s10], $0x1, v0, vm0, $0x4038;
	[tilespmem:$0x80] =	vst v63  }
.Ltmp4:
0x2e: {  	(pc) =	sbr.rel .LBB2_5-.Ltmp4, $4  }
0x2f: {  	_ =	swait.ge [sflag:s5], $0x20  }
0x30: {  	s15 =	sshrl.u32 s13, $0x3;
	[sflag:s5] =	ssyncset.done $0x0  }
0x31: {  	s31 =	sand.u32 $0x7, s13;
	s15 =	sadd.s32 s8, s15;
	[sflag:s5] =	ssyncadd.s32 $0xFFFFFFE0  }
0x32: {  	[hbm4b:s15+s31] =	stream.linear.scatter [tilespmem:s14], [sflag:$0x3], $0x20, $0x38;
	[tilespmem:$0x80] =	vst v63  }
.LBB2_6:
0x33: {  	_ =	sfence.sel $0x180000  }
0x34: {  	s2 =	simm.s32 $0x2;
	[bflag:$0x0] =	sbarrier.arrive $0xFFFF  }
0x35: {  	s30 =	simm.s32 $0x3;
	[sflag:s2] =	ssyncpa.u1 $0x1  }
0x36: {  	s31 =	simm.s32 $0x1;
	[sflag:s30] =	ssyncpa.u1 $0x1  }
0x37: {  	[sflag:s31] =	ssyncpa.u1 $0x1  }
0x38: {  	p0 =	sne.s32 s0, $0x0;
	_ =	strace $0x9000004D  }
0x39: {  	s0 =	sadd.s32 @!p0 $0x100000, s1;
	[bflag:$0x2] =	sbarrier.arrive $0xFFFF  }
0x3a: {  	[sflag:s0] =	ssyncadd.tile.s32 @!p0 $0x1;
	_ =	shalt  }
.Lfunc_end2:
_tile_overlayer_lowered:
.L_overlay_start_2:
0x3b: {  	(tag) =	ssettag $0x2  }
0x3c: {  	s0 =	rddreg [dreg:$0x0];
	s2 =	stileid.u32  }
0x3d: {  	s1 =	rddreg [dreg:$0x1];
	p0 =	sne.s32 s2, $0x0  }
0x3e: {  	s3 =	rddreg [dreg:$0x2];
	[bflag:$0x3] =	sbarrier.arrive $0xFFFF;
	s2 =	simm.s32 @!p0 $0x1C01  }
0x3f: {  	[timem:s3], [sflag:s2] =	dma.local @!p0 [hbm:s0], s1  }
0x40: {  	s0 =	simm.s32 @!p0 $0x1  }
0x41: {  	_ =	swait.ge @!p0 [sflag:s0], s1  }
0x42: {  	s1 =	ssub.s32 @!p0 $0x0, s1;
	[sflag:s0] =	ssyncset.done @!p0 $0x0  }
0x43: {  	[sflag:s0] =	ssyncadd.s32 @!p0 s1  }
0x44: {  	[bflag:$0x3] =	sbarrier.arrive $0xFFFF  }
0x45: {  	_ =	shalt  }

// kernel: gather_offload_async_start.4
scs
__scs_entry_jumppad:
0x0: {  	(pc) =	sbr.rel $0x88, $3  }
0x1: {  	(tag) =	ssettag $0x0;
	lr =	simm.s32 $0x1  }
0x2: {  	[smem:$0x3F94] =	sst lr;
	_ =	strace $0xD0000000  }
0x3: {  	_ = 	snop  }
0x4: {  	_ = 	snop  }
0x5: {  	_ = 	snop  }
0x6: {  	_ = 	snop  }
0x7: {  	_ = 	snop  }
__scs_overlays_trampoline_lowered:
0x8: {  	[smem:$0x3FA3] =	sst s0  }
0x9: {  	[smem:$0x3FA4] =	sst s1  }
0xa: {  	[smem:$0x3FA5] =	sst s2  }
0xb: {  	[smem:$0x3FA6] =	sst s3  }
0xc: {  	[smem:$0x3FA7] =	sst s4  }
0xd: {  	[smem:$0x3FA8] =	sst s5  }
0xe: {  	[smem:$0x3FA9] =	sst s6  }
0xf: {  	[smem:$0x3FAA] =	sst s7  }
0x10: {  	[smem:$0x3FAB] =	sst s8  }
0x11: {  	[smem:$0x3FAC] =	sst s9;
	s0 =	simm.s32 @!p0 $0x0  }
0x12: {  	s1 =	sld [smem:$0x3F92];
	s0 =	simm.s32 @p0 $0x1  }
0x13: {  	[smem:$0x3FAD] =	sst s0;
	s0 =	simm.s32 @!p1 $0x0  }
0x14: {  	s2 =	sld [smem:$0x3F91];
	s0 =	simm.s32 @p1 $0x1  }
0x15: {  	[smem:$0x3FAE] =	sst s0;
	s0 =	simm.s32 @!p2 $0x0  }
0x16: {  	s3 =	sld [smem:$0x3FDB];
	s0 =	simm.s32 @p2 $0x1  }
0x17: {  	s4 =	simm.s32 $0x1BF5;
	[smem:$0x3FB0] =	sst s0  }
0x18: {  	s0 =	sld [smem:$0x3F93];
	_ =	swait.ge [sflag:s4], $0x0  }
0x19: {  	s7 =	sld [smem:$0x3F94]  }
0x1a: {  	s8 =	sadd.s32 $0xFFFFE003, lr  }
0x1b: {  	s9 =	sadd.s32 $0xFFFFFEF7, lr;
	s5 =	simm.s32 $0xFFFFFFFF;
	p2 =	slt.u32 s8, $0xFFFFF086  }
0x1c: {  	p1 =	slt.u32 s9, $0xF7A;
	s5 =	simm.s32 @!p2 $0x0  }
0x1d: {  	s5 =	simm.s32 @p1 $0x1;
	p0 =	seq.s32 s7, s2  }
0x1e: {  	s7 =	smul.u32 @!p0 $0xF7A, s2;
	p2 =	seq.s32 @!p0 s5, $0x0  }
0x1f: {  	s9 =	smul.u32 $0xF7A, s1;
	s8 =	simm.s32 @!p0 $0x1BF5;
	p2 =	por !p2, p0  }
0x20: {  	[sflag:s8] =	ssyncset.s32 @!p0 $0xFFFFF086;
	s6 =	sadd.s32 @!p0 s3, s7;
	s7 =	simm.s32 @!p0 $0x108  }
0x21: {  	s3 =	sadd.s32 s3, s9;
	s6 =	sadd.s32 @!p0 $0x88, s6;
	s7 =	simm.s32 @p2 $0x1082  }
0x22: {  	[simem:s7], [sflag:s8] =	dma.local @!p0 [hbm:s6], $0xF7A  }
0x23: {  	s9 =	sor.u32 $0xD0000000, s2;
	s6 =	simm.s32 $0x108;
	_ =	swait.ge @!p0 [sflag:s8], $0x0  }
0x24: {  	s3 =	sadd.s32 $0x88, s3;
	s6 =	simm.s32 @!p1 $0x1082;
	[sflag:s4] =	ssyncset.s32 $0xFFFFF086  }
0x25: {  	[simem:s6], [sflag:s4] =	dma.local [hbm:s3], $0xF7A  }
0x26: {  	[smem:$0x3F94] =	sst s1;
	(tag) =	ssettag s2;
	_ =	strace s9  }
0x27: {  	s1 =	sld [smem:$0x3FA4]  }
0x28: {  	s2 =	sld [smem:$0x3FA5]  }
0x29: {  	s4 =	sld [smem:$0x3FA7]  }
0x2a: {  	p0 =	seq.s32 s5, $0x0;
	s5 =	sld [smem:$0x3FA8]  }
0x2b: {  	s6 =	sld [smem:$0x3FA9]  }
0x2c: {  	s7 =	sld [smem:$0x3FAA]  }
0x2d: {  	s3 =	simm.s32 $0x108;
	s8 =	sld [smem:$0x3FAB]  }
0x2e: {  	s3 =	simm.s32 @!p0 $0x1082;
	s9 =	sld [smem:$0x3FAC]  }
0x2f: {  	lr =	sadd.s32 s0, s3;
	s0 =	sld [smem:$0x3FA3]  }
0x30: {  	s3 =	sld [smem:$0x3FA6]  }
0x31: {  	[smem:$0x3FAF] =	sst s10  }
0x32: {  	s10 =	sld [smem:$0x3FAD];
	_ =	sdelay $0x3  }
0x33: {  	p0 =	seq.s32 s10, $0x1;
	s10 =	sld [smem:$0x3FAF];
	_ =	sdelay $0x3  }
0x34: {  	[smem:$0x3FAF] =	sst s10  }
0x35: {  	s10 =	sld [smem:$0x3FAE];
	_ =	sdelay $0x3  }
0x36: {  	p1 =	seq.s32 s10, $0x1;
	s10 =	sld [smem:$0x3FAF];
	_ =	sdelay $0x3  }
0x37: {  	[smem:$0x3FAF] =	sst s10  }
0x38: {  	s10 =	sld [smem:$0x3FB0]  }
0x39: {  	_ = 	snop;
	(pc) =	sbr.ind lr, $3  }
0x3a: {  	_ = 	snop  }
0x3b: {  	_ = 	snop  }
0x3c: {  	p2 =	seq.s32 s10, $0x1;
	s10 =	sld [smem:$0x3FAF]  }
0x3d: {  	_ =	shalt  }
0x3e: {  	_ =	shalt  }
0x3f: {  	_ =	shalt  }
0x40: {  	_ =	shalt  }
0x41: {  	_ =	shalt  }
0x42: {  	_ =	shalt  }
0x43: {  	_ =	shalt  }
0x44: {  	_ =	shalt  }
0x45: {  	_ =	shalt  }
0x46: {  	_ =	shalt  }
0x47: {  	_ =	shalt  }
0x48: {  	_ =	shalt  }
0x49: {  	_ =	shalt  }
0x4a: {  	_ =	shalt  }
0x4b: {  	_ =	shalt  }
0x4c: {  	_ =	shalt  }
0x4d: {  	_ =	shalt  }
0x4e: {  	_ =	shalt  }
0x4f: {  	_ =	shalt  }
0x50: {  	_ =	shalt  }
0x51: {  	_ =	shalt  }
0x52: {  	_ =	shalt  }
0x53: {  	_ =	shalt  }
0x54: {  	_ =	shalt  }
0x55: {  	_ =	shalt  }
0x56: {  	_ =	shalt  }
0x57: {  	_ =	shalt  }
0x58: {  	_ =	shalt  }
0x59: {  	_ =	shalt  }
0x5a: {  	_ =	shalt  }
0x5b: {  	_ =	shalt  }
0x5c: {  	_ =	shalt  }
0x5d: {  	_ =	shalt  }
0x5e: {  	_ =	shalt  }
0x5f: {  	_ =	shalt  }
0x60: {  	_ =	shalt  }
0x61: {  	_ =	shalt  }
0x62: {  	_ =	shalt  }
0x63: {  	_ =	shalt  }
0x64: {  	_ =	shalt  }
0x65: {  	_ =	shalt  }
0x66: {  	_ =	shalt  }
0x67: {  	_ =	shalt  }
0x68: {  	_ =	shalt  }
0x69: {  	_ =	shalt  }
0x6a: {  	_ =	shalt  }
0x6b: {  	_ =	shalt  }
0x6c: {  	_ =	shalt  }
0x6d: {  	_ =	shalt  }
0x6e: {  	_ =	shalt  }
0x6f: {  	_ =	shalt  }
0x70: {  	_ =	shalt  }
0x71: {  	_ =	shalt  }
0x72: {  	_ =	shalt  }
0x73: {  	_ =	shalt  }
0x74: {  	_ =	shalt  }
0x75: {  	_ =	shalt  }
0x76: {  	_ =	shalt  }
0x77: {  	_ =	shalt  }
0x78: {  	_ =	shalt  }
0x79: {  	_ =	shalt  }
0x7a: {  	_ =	shalt  }
0x7b: {  	_ =	shalt  }
0x7c: {  	_ =	shalt  }
0x7d: {  	_ =	shalt  }
0x7e: {  	_ =	shalt  }
0x7f: {  	_ =	shalt  }
0x80: {  	_ =	shalt  }
0x81: {  	_ =	shalt  }
0x82: {  	_ =	shalt  }
0x83: {  	_ =	shalt  }
0x84: {  	_ =	shalt  }
0x85: {  	_ =	shalt  }
0x86: {  	_ =	shalt  }
0x87: {  	_ =	shalt  }
.Lfunc_end0:
.L_simem_size_0:
called_computation.5_lowered:
.L_overlay_start_0:
0x88: {  	s2 =	sld [smem:$0x3FD9]  }
0x89: {  	s3 =	sld [smem:$0x3FFE];
	_ =	sdelay $0x1  }
0x8a: {  	s1 =	srdreg.scid  }
0x8b: {  	s0 =	sand.u32 $0x1, s1  }
0x8c: {  	s14 =	sshll.u32 s0, $0xA;
	s2 =	sadd.s32 s3, s2  }
0x8d: {  	s2 =	sadd.s32 s2, s14  }
0x8e: {  	[smem:$0x3FBB] =	sst s2  }
0x8f: {  	_ = 	snop  }
0x90: {  	s2 =	sld [smem:$0x3FD0];
	_ =	sdelay $0x2  }
0x91: {  	s15 =	simm.s32 $0xB;
	s4 =	simm.s32 $0x10  }
0x92: {  	[smem:s4], [sflag:s15] =	dma.local [hbm:s2], $0x1  }
0x93: {  	_ =	swait.eq [sflag:s15], $0x1  }
0x94: {  	[sflag:s15] =	ssyncset.done $0x0  }
0x95: {  	s16 =	sld [smem:$0x10];
	[sflag:s15] =	ssyncadd.s32 $0xFFFFFFFF  }
0x96: {  	s17 =	sld [smem:$0x11];
	(tm) =	ssettm $0x1  }
0x97: {  	s18 =	sld [smem:$0x3FFB];
	_ =	sdelay $0x3  }
0x98: {  	_ =	strace s18  }
0x99: {  	s4 =	sld [smem:$0x3FFC];
	_ =	sdelay $0x3  }
0x9a: {  	_ =	strace s4  }
0x9b: {  	s4 =	sld [smem:$0x3FFD];
	_ =	sdelay $0x3  }
0x9c: {  	_ =	strace s4  }
0x9d: {  	_ =	strace $0x8FFFFFFF  }
0x9e: {  	s19 =	sld [smem:$0x3FDB];
	_ =	sdelay $0x1  }
0x9f: {  	s5 =	simm.s32 $_scs_section_size  }
0xa0: {  	s6 =	simm.s32 $_size__tile_overlayer_lowered;
	s7 =	simm.s32 $_tile_overlayer_lowered  }
0xa1: {  	s22 =	simm.s32 $0x1BFF;
	s21 =	sshll.u32 s7, $0x1;
	s4 =	sadd.s32 s5, s19  }
0xa2: {  	s8 =	simm.s32 $0x0;
	s20 =	sshll.u32 s6, $0x1;
	s6 =	sadd.s32 s21, s4  }
0xa3: {  	[timem:s8], [sflag:s22] =	dma.local [hbm:s6], s20  }
0xa4: {  	_ =	swait.ge [sflag:s22], s20  }
0xa5: {  	s5 =	ssub.s32 $0x0, s20;
	[sflag:s22] =	ssyncset.done $0x0  }
0xa6: {  	[sflag:s22] =	ssyncadd.s32 s5;
	_ =	sdelay $0x1  }
0xa7: {  	s23 =	simm.s32 $0x1B8B  }
0xa8: {  	_ =	swait.ge [sflag:s23], $0x1  }
0xa9: {  	[sflag:s23] =	ssyncset.done $0x0  }
0xaa: {  	s25 =	simm.s32 $0x1B8E;
	s24 =	sld [smem:$0x3FFE];
	[sflag:s23] =	ssyncadd.s32 $0xFFFFFFFF  }
0xab: {  	s26 =	simm.s32 $execute0_lowered;
	[smem:$0x3FD2] =	sst s25  }
0xac: {  	s6 =	sshll.u32 s26, $0x1;
	_ =	strace $0x80000052;
	[dreg:$0x1] =	wrdreg $0xFFFFFFFF  }
0xad: {  	s28 =	simm.s32 $_size_execute0_lowered;
	s4 =	sadd.s32 s4, s6;
	[dreg:$0x0] =	wrdreg $0x0  }
0xae: {  	s6 =	sshll.u32 s28, $0x1;
	[dreg:$0x2] =	wrdreg s4  }
0xaf: {  	[dreg:$0x3] =	wrdreg s6  }
0xb0: {  	[dreg:$0x4] =	wrdreg $0xC0  }
0xb1: {  	_ =	task [dreg:s8], $0x5FFFF  }
0xb2: {  	[dreg:$0x1] =	wrdreg $0xFFFFFFFF  }
0xb3: {  	[dreg:$0x0] =	wrdreg $0x60  }
0xb4: {  	[dreg:$0x2] =	wrdreg s24  }
0xb5: {  	[dreg:$0x3] =	wrdreg s16  }
0xb6: {  	[dreg:$0x4] =	wrdreg s17  }
0xb7: {  	[dreg:$0x5] =	wrdreg $0x9  }
0xb8: {  	_ =	task.clear_ibuf [dreg:s8], $0x6FFFF;
	_ =	strace $0x90000052  }
0xb9: {  	s29 =	simm.s32 $0x9;
	_ =	strace $0x80000054  }
0xba: {  	_ =	swait.ge [sflag:s29], $0x1  }
0xbb: {  	[sflag:s29] =	ssyncadd.s32 $0xFFFFFFFF  }
0xbc: {  	_ =	strace $0x90000054  }
0xbd: {  	_ =	sfence  }
0xbe: {  	s30 =	sld [smem:$0x0];
	_ =	sdelay $0x2  }
0xbf: {  	s31 =	sshll.u32 s1, $0xD;
	s1 =	sshrl.u32 s1, $0x2  }
0xc0: {  	s3 =	sand.u32 $0x4000, s31;
	s1 =	sadd.s32 s1, s30  }
0xc1: {  	s0 =	sor.u32 s3, s0;
	s1 =	sshll.u32 s1, $0x11  }
0xc2: {  	s0 =	sor.u32 s1, s0  }
0xc3: {  	s0 =	sadd.s32 $0x8F2B, s0  }
0xc4: {  	[sflag:s0] =	ssyncadd.remote.s32 $0x1  }
0xc5: {  	_ =	sfence.sel $0xFFFF  }
0xc6: {  	[dreg:$0x0] =	wrdreg $0xFFFFFFFF;
	(pc) =	sbr.abs _section_cstart, $3  }
0xc7: {  	[dreg:$0x1] =	wrdreg $0xFFFFFFFF  }
0xc8: {  	_ =	task.clear_ibuf [dreg:s8], $0x2FFFF;
	_ =	strace $0x9FFFFFFF  }
0xc9: {  	(tm) =	ssettm $0x7FFFFFFF  }
tec
execute0_lowered:
.L_overlay_start_1:
0x0: {  	(tag) =	ssettag $0x1  }
0x1: {  	s2 =	rddreg [dreg:$0x0]  }
0x2: {  	s3 =	rddreg [dreg:$0x1]  }
0x3: {  	s4 =	rddreg [dreg:$0x2]  }
0x4: {  	s0 =	rddreg [dreg:$0x3];
	s1 =	srdreg.scid  }
0x5: {  	_ =	strace $0x80000053;
	s5 =	simm.s32 $0x1;
	s6 =	sshll.u32 s1, $0x4  }
.Ltmp0:
0x6: {  	s1 =	stileid.u32;
	s6 =	sand.u32 $0x10, s6;
	(pc) =	sbr.rel .LBB2_1-.Ltmp0, $4  }
0x7: {  	s9 =	simm.s32 $0x3;
	s12 =	simm.s32 $0x0;
	s7 =	sor.u32 s1, s6  }
0x8: {  	[sflag:s5] =	ssyncpa.u1 $0x0;
	s6 =	simm.s32 $0x2;
	s7 =	sshll.u32 s7, $0x7  }
0x9: {  	s10 =	simm.s32 $0x0;
	[sflag:s6] =	ssyncpa.u1 $0x0;
	s8 =	sadd.s32 $0x80, s7  }
0xa: {  	vm0 =	vmmov $0xff;
	vm1 =	vcmask $0x3F20;
	[sflag:s9] =	ssyncpa.u1 $0x0;
	s9 =	simm.s32 $0x80;
	s11 =	smov.u32 s7  }
.LBB2_9:
0xb: {  	p0 =	seq.s32 s10, $0x2  }
.Ltmp1:
0xc: {  	_ = 	snop;
	(pc) =	sbr.rel @p0 .LBB2_11-.Ltmp1, $1  }
0xd: {  	_ =	sdelay $0x3  }
.LBB2_10:
0xe: {  	s12 =	sadd.s32 $0x80, s11  }
0xf: {  	s13 =	smov.u32 s7;
	p0 =	slt.s32 s12, s8  }
0x10: {  	s13 =	smov.u32 @p0 s12  }
0x11: {  	s10 =	sadd.s32 $0x1, s10;
	s12 =	smov.u32 s11;
	s11 =	smov.u32 s13  }
.LBB2_1:
0x12: {  	p0 =	sne.s32 s10, $0x0  }
.Ltmp2:
0x13: {  	_ = 	snop;
	(pc) =	sbr.rel @!p0 .LBB2_2-.Ltmp2, $1  }
0x14: {  	_ =	sdelay $0x3  }
0x15: {  	s13 =	sand.u32 $0x1, s10  }
0x16: {  	p0 =	seq.s32 s13, $0x0  }
.Ltmp3:
0x17: {  	_ = 	snop;
	(pc) =	sbr.rel @p0 .LBB2_9-.Ltmp3, $1  }
0x18: {  	_ =	sdelay $0x3  }
0x19: {  	_ =	swait.ge [sflag:s6], $0x80  }
0x1a: {  	[sflag:s6] =	ssyncset.done $0x0  }
0x1b: {  	s13 =	simm.s32 $0x0;
	[sflag:s6] =	ssyncadd.s32 $0xFFFFFF80  }
0x1c: {  	v0 =	vld.msk [tilespmem:s13+$0x80 ss:$0x1], $0xffff;
	_ =	sdelay $0x4  }
0x1d: {  	v1 =	vshll.u32 v0, $0x5  }
0x1e: {  	vm2 =	veq.s32 v0, $0x80000000;
	v0 =	vshll.u32 v0, $0x14;
	v1 =	vand.u32 $0xFFF80, v1  }
0x1f: {  	v0 =	vand.u32 $0x300000, v0;
	v1 =	vsel vm2, $0xFFFFFF80, v1  }
0x20: {  	v0 =	vsel vm2, $0xFFF00000, v0;
	v2 =	vand.u32 $0xFFFFFC00, v1  }
0x21: {  	v1 =	vand.u32 $0x380, v1;
	v0 =	vadd.s32 v0, v2  }
0x22: {  	v0 =	vor.u32 v1, v0  }
0x23: {  	v0 =	vshrl.u32 v0, $0x3;
	_ =	sdelay $0x3  }
0x24: {  	s13 =	simm.s32 $0x4100  }
0x25: {  	[tilespmem:s13], [sflag:$0x1] =	stream.indirect_vreg.gather [hbm:s2], $0x80, v0, vm0, $0x38;
	[tilespmem:$0x8100] =	vst v63  }
0x26: {  	s14 =	simm.s32 $0x4500;
	s31 =	simm.s32 $0x10  }
0x27: {  	[tilespmem:s14], [sflag:$0x1] =	stream.indirect_vreg.gather [hbm:s2], $0x80, v0, vm1, $0x38;
	[tilespmem:$0x8100] =	vst v63  }
0x28: {  	s14 =	simm.s32 $0x80;
	v0 =	vld.msk [tilespmem:s31+$0x80 ss:$0x1], $0xffff  }
.LBB2_5:
0x29: {  	p0 =	sne.s32 s14, $0x1C0;
	_ =	sdelay $0x4  }
0x2a: {  	v1 =	vshll.u32 v0, $0x5  }
0x2b: {  	vm2 =	veq.s32 v0, $0x80000000;
	v0 =	vshll.u32 v0, $0x14;
	v1 =	vand.u32 $0xFFF80, v1  }
0x2c: {  	v0 =	vand.u32 $0x300000, v0;
	v1 =	vsel vm2, $0xFFFFFF80, v1  }
0x2d: {  	v0 =	vsel vm2, $0xFFF00000, v0;
	v2 =	vand.u32 $0xFFFFFC00, v1  }
0x2e: {  	v1 =	vand.u32 $0x380, v1;
	v0 =	vadd.s32 v0, v2  }
0x2f: {  	v0 =	vor.u32 v1, v0  }
0x30: {  	v0 =	vshrl.u32 v0, $0x3;
	_ =	sdelay $0x3  }
.Ltmp4:
0x31: {  	s13 =	sadd.s32 $0x800, s13;
	(pc) =	sbr.rel @p0 .LBB2_5-.Ltmp4, $4  }
0x32: {  	[tilespmem:s13], [sflag:$0x1] =	stream.indirect_vreg.gather [hbm:s2], $0x80, v0, vm0, $0x38;
	[tilespmem:$0x8100] =	vst v63  }
0x33: {  	s15 =	sshra.s32 s14, $0x2;
	s16 =	sadd.s32 $0x400, s13  }
0x34: {  	[tilespmem:s16], [sflag:$0x1] =	stream.indirect_vreg.gather [hbm:s2], $0x80, v0, vm1, $0x38;
	[tilespmem:$0x8100] =	vst v63  }
0x35: {  	s14 =	sadd.s32 $0x40, s14;
	v0 =	vld.msk [tilespmem:s15+$0x80 ss:$0x1], $0xffff  }
0x36: {  	_ =	sdelay $0x3  }
0x37: {  	v1 =	vshll.u32 v0, $0x5  }
0x38: {  	vm2 =	veq.s32 v0, $0x80000000;
	v63 =	vshll.u32 v0, $0x14;
	v1 =	vand.u32 $0xFFF80, v1  }
0x39: {  	v0 =	vand.u32 $0x300000, v63;
	v1 =	vsel vm2, $0xFFFFFF80, v1  }
0x3a: {  	v0 =	vsel vm2, $0xFFF00000, v0;
	v2 =	vand.u32 $0xFFFFFC00, v1  }
0x3b: {  	v1 =	vand.u32 $0x380, v1;
	v0 =	vadd.s32 v0, v2  }
0x3c: {  	v0 =	vor.u32 v1, v0  }
0x3d: {  	v0 =	vshrl.u32 v0, $0x3;
	_ =	sdelay $0x3  }
0x3e: {  	s13 =	sadd.s32 $0x800, s13  }
0x3f: {  	[tilespmem:s13], [sflag:$0x1] =	stream.indirect_vreg.gather [hbm:s2], $0x80, v0, vm0, $0x38;
	[tilespmem:$0x8100] =	vst v63  }
0x40: {  	s13 =	sadd.s32 $0x400, s13  }
0x41: {  	[tilespmem:s13], [sflag:$0x1] =	stream.indirect_vreg.gather [hbm:s2], $0x80, v0, vm1, $0x38;
	[tilespmem:$0x8100] =	vst v63  }
0x42: {  	s12 =	sshll.u32 s12, $0x4;
	s14 =	simm.s32 $0x80;
	_ =	swait.ge [sflag:s5], $0x4000  }
0x43: {  	s15 =	simm.s32 $0x4500;
	s12 =	sadd.s32 s12, s4;
	[sflag:s5] =	ssyncset.done $0x0  }
0x44: {  	s16 =	sadd.s32 $0x0, s12;
	s13 =	simm.s32 $0x4100;
	[sflag:s5] =	ssyncadd.s32 $0xFFFFC000  }
.LBB2_7:
0x45: {  	[hbm:s16] =	stream.linear.scatter [tilespmem:s13], [sflag:$0x3], $0x400, $0x38;
	[tilespmem:$0x8100] =	vst v63  }
0x46: {  	s16 =	smov.u32 s14;
	s13 =	smov.u32 s15;
	p0 =	sne.s32 s14, $0x780  }
.Ltmp5:
0x47: {  	s14 =	sadd.s32 $0x80, s14;
	(pc) =	sbr.rel @p0 .LBB2_7-.Ltmp5, $2  }
0x48: {  	_ =	sdelay $0x2  }
0x49: {  	s15 =	sadd.s32 $0x400, s15;
	s16 =	sadd.s32 s16, s12  }
.Ltmp6:
0x4a: {  	(pc) =	sbr.rel .LBB2_9-.Ltmp6, $2  }
0x4b: {  	_ =	sdelay $0x2  }
0x4c: {  	[hbm:s16] =	stream.linear.scatter [tilespmem:s13], [sflag:$0x3], $0x400, $0x38;
	[tilespmem:$0x8100] =	vst v63  }
.LBB2_2:
.Ltmp7:
0x4d: {  	(pc) =	sbr.rel .LBB2_10-.Ltmp7, $4  }
0x4e: {  	_ = 	snop  }
0x4f: {  	s12 =	sshrl.u32 s11, $0x3  }
0x50: {  	s13 =	sand.u32 $0x7, s11;
	s12 =	sadd.s32 s3, s12  }
0x51: {  	[tilespmem:s9], [sflag:$0x2] =	stream.linear.gather [hbm4b:s12+s13], $0x80, $0x38;
	[tilespmem:$0x8100] =	vst v63  }
.LBB2_11:
0x52: {  	s2 =	simm.s32 $0x3  }
0x53: {  	_ =	swait.ge [sflag:s2], $0x4000  }
0x54: {  	[sflag:s2] =	ssyncset.done $0x0  }
0x55: {  	[sflag:s2] =	ssyncadd.s32 $0xFFFFC000  }
0x56: {  	_ =	sfence.sel $0x180000  }
0x57: {  	s3 =	simm.s32 $0x2;
	[bflag:$0x0] =	sbarrier.arrive $0xFFFF  }
0x58: {  	[sflag:s3] =	ssyncpa.u1 $0x1  }
0x59: {  	s31 =	simm.s32 $0x1;
	[sflag:s2] =	ssyncpa.u1 $0x1  }
0x5a: {  	[sflag:s31] =	ssyncpa.u1 $0x1  }
0x5b: {  	p0 =	sne.s32 s1, $0x0;
	_ =	strace $0x90000053  }
0x5c: {  	s0 =	sadd.s32 @!p0 $0x100000, s0;
	[bflag:$0x2] =	sbarrier.arrive $0xFFFF  }
0x5d: {  	[sflag:s0] =	ssyncadd.tile.s32 @!p0 $0x1;
	_ =	shalt  }
.Lfunc_end2:
_tile_overlayer_lowered:
.L_overlay_start_2:
0x5e: {  	(tag) =	ssettag $0x2  }
0x5f: {  	s0 =	rddreg [dreg:$0x0];
	s2 =	stileid.u32  }
0x60: {  	s1 =	rddreg [dreg:$0x1];
	p0 =	sne.s32 s2, $0x0  }
0x61: {  	s3 =	rddreg [dreg:$0x2];
	[bflag:$0x3] =	sbarrier.arrive $0xFFFF;
	s2 =	simm.s32 @!p0 $0x1C01  }
0x62: {  	[timem:s3], [sflag:s2] =	dma.local @!p0 [hbm:s0], s1  }
0x63: {  	s0 =	simm.s32 @!p0 $0x1  }
0x64: {  	_ =	swait.ge @!p0 [sflag:s0], s1  }
0x65: {  	s1 =	ssub.s32 @!p0 $0x0, s1;
	[sflag:s0] =	ssyncset.done @!p0 $0x0  }
0x66: {  	[sflag:s0] =	ssyncadd.s32 @!p0 s1  }
0x67: {  	[bflag:$0x3] =	sbarrier.arrive $0xFFFF  }
0x68: {  	_ =	shalt  }

// kernel: gather_offload_async_start
scs
__scs_entry_jumppad:
0x0: {  	(pc) =	sbr.rel $0x88, $3  }
0x1: {  	(tag) =	ssettag $0x0;
	lr =	simm.s32 $0x1  }
0x2: {  	[smem:$0x3F94] =	sst lr;
	_ =	strace $0xD0000000  }
0x3: {  	_ = 	snop  }
0x4: {  	_ = 	snop  }
0x5: {  	_ = 	snop  }
0x6: {  	_ = 	snop  }
0x7: {  	_ = 	snop  }
__scs_overlays_trampoline_lowered:
0x8: {  	[smem:$0x3FA3] =	sst s0  }
0x9: {  	[smem:$0x3FA4] =	sst s1  }
0xa: {  	[smem:$0x3FA5] =	sst s2  }
0xb: {  	[smem:$0x3FA6] =	sst s3  }
0xc: {  	[smem:$0x3FA7] =	sst s4  }
0xd: {  	[smem:$0x3FA8] =	sst s5  }
0xe: {  	[smem:$0x3FA9] =	sst s6  }
0xf: {  	[smem:$0x3FAA] =	sst s7  }
0x10: {  	[smem:$0x3FAB] =	sst s8  }
0x11: {  	[smem:$0x3FAC] =	sst s9;
	s0 =	simm.s32 @!p0 $0x0  }
0x12: {  	s1 =	sld [smem:$0x3F92];
	s0 =	simm.s32 @p0 $0x1  }
0x13: {  	[smem:$0x3FAD] =	sst s0;
	s0 =	simm.s32 @!p1 $0x0  }
0x14: {  	s2 =	sld [smem:$0x3F91];
	s0 =	simm.s32 @p1 $0x1  }
0x15: {  	[smem:$0x3FAE] =	sst s0;
	s0 =	simm.s32 @!p2 $0x0  }
0x16: {  	s3 =	sld [smem:$0x3FDB];
	s0 =	simm.s32 @p2 $0x1  }
0x17: {  	s4 =	simm.s32 $0x1BF5;
	[smem:$0x3FB0] =	sst s0  }
0x18: {  	s0 =	sld [smem:$0x3F93];
	_ =	swait.ge [sflag:s4], $0x0  }
0x19: {  	s7 =	sld [smem:$0x3F94]  }
0x1a: {  	s8 =	sadd.s32 $0xFFFFE003, lr  }
0x1b: {  	s9 =	sadd.s32 $0xFFFFFEF7, lr;
	s5 =	simm.s32 $0xFFFFFFFF;
	p2 =	slt.u32 s8, $0xFFFFF086  }
0x1c: {  	p1 =	slt.u32 s9, $0xF7A;
	s5 =	simm.s32 @!p2 $0x0  }
0x1d: {  	s5 =	simm.s32 @p1 $0x1;
	p0 =	seq.s32 s7, s2  }
0x1e: {  	s7 =	smul.u32 @!p0 $0xF7A, s2;
	p2 =	seq.s32 @!p0 s5, $0x0  }
0x1f: {  	s9 =	smul.u32 $0xF7A, s1;
	s8 =	simm.s32 @!p0 $0x1BF5;
	p2 =	por !p2, p0  }
0x20: {  	[sflag:s8] =	ssyncset.s32 @!p0 $0xFFFFF086;
	s6 =	sadd.s32 @!p0 s3, s7;
	s7 =	simm.s32 @!p0 $0x108  }
0x21: {  	s3 =	sadd.s32 s3, s9;
	s6 =	sadd.s32 @!p0 $0x88, s6;
	s7 =	simm.s32 @p2 $0x1082  }
0x22: {  	[simem:s7], [sflag:s8] =	dma.local @!p0 [hbm:s6], $0xF7A  }
0x23: {  	s9 =	sor.u32 $0xD0000000, s2;
	s6 =	simm.s32 $0x108;
	_ =	swait.ge @!p0 [sflag:s8], $0x0  }
0x24: {  	s3 =	sadd.s32 $0x88, s3;
	s6 =	simm.s32 @!p1 $0x1082;
	[sflag:s4] =	ssyncset.s32 $0xFFFFF086  }
0x25: {  	[simem:s6], [sflag:s4] =	dma.local [hbm:s3], $0xF7A  }
0x26: {  	[smem:$0x3F94] =	sst s1;
	(tag) =	ssettag s2;
	_ =	strace s9  }
0x27: {  	s1 =	sld [smem:$0x3FA4]  }
0x28: {  	s2 =	sld [smem:$0x3FA5]  }
0x29: {  	s4 =	sld [smem:$0x3FA7]  }
0x2a: {  	p0 =	seq.s32 s5, $0x0;
	s5 =	sld [smem:$0x3FA8]  }
0x2b: {  	s6 =	sld [smem:$0x3FA9]  }
0x2c: {  	s7 =	sld [smem:$0x3FAA]  }
0x2d: {  	s3 =	simm.s32 $0x108;
	s8 =	sld [smem:$0x3FAB]  }
0x2e: {  	s3 =	simm.s32 @!p0 $0x1082;
	s9 =	sld [smem:$0x3FAC]  }
0x2f: {  	lr =	sadd.s32 s0, s3;
	s0 =	sld [smem:$0x3FA3]  }
0x30: {  	s3 =	sld [smem:$0x3FA6]  }
0x31: {  	[smem:$0x3FAF] =	sst s10  }
0x32: {  	s10 =	sld [smem:$0x3FAD];
	_ =	sdelay $0x3  }
0x33: {  	p0 =	seq.s32 s10, $0x1;
	s10 =	sld [smem:$0x3FAF];
	_ =	sdelay $0x3  }
0x34: {  	[smem:$0x3FAF] =	sst s10  }
0x35: {  	s10 =	sld [smem:$0x3FAE];
	_ =	sdelay $0x3  }
0x36: {  	p1 =	seq.s32 s10, $0x1;
	s10 =	sld [smem:$0x3FAF];
	_ =	sdelay $0x3  }
0x37: {  	[smem:$0x3FAF] =	sst s10  }
0x38: {  	s10 =	sld [smem:$0x3FB0]  }
0x39: {  	_ = 	snop;
	(pc) =	sbr.ind lr, $3  }
0x3a: {  	_ = 	snop  }
0x3b: {  	_ = 	snop  }
0x3c: {  	p2 =	seq.s32 s10, $0x1;
	s10 =	sld [smem:$0x3FAF]  }
0x3d: {  	_ =	shalt  }
0x3e: {  	_ =	shalt  }
0x3f: {  	_ =	shalt  }
0x40: {  	_ =	shalt  }
0x41: {  	_ =	shalt  }
0x42: {  	_ =	shalt  }
0x43: {  	_ =	shalt  }
0x44: {  	_ =	shalt  }
0x45: {  	_ =	shalt  }
0x46: {  	_ =	shalt  }
0x47: {  	_ =	shalt  }
0x48: {  	_ =	shalt  }
0x49: {  	_ =	shalt  }
0x4a: {  	_ =	shalt  }
0x4b: {  	_ =	shalt  }
0x4c: {  	_ =	shalt  }
0x4d: {  	_ =	shalt  }
0x4e: {  	_ =	shalt  }
0x4f: {  	_ =	shalt  }
0x50: {  	_ =	shalt  }
0x51: {  	_ =	shalt  }
0x52: {  	_ =	shalt  }
0x53: {  	_ =	shalt  }
0x54: {  	_ =	shalt  }
0x55: {  	_ =	shalt  }
0x56: {  	_ =	shalt  }
0x57: {  	_ =	shalt  }
0x58: {  	_ =	shalt  }
0x59: {  	_ =	shalt  }
0x5a: {  	_ =	shalt  }
0x5b: {  	_ =	shalt  }
0x5c: {  	_ =	shalt  }
0x5d: {  	_ =	shalt  }
0x5e: {  	_ =	shalt  }
0x5f: {  	_ =	shalt  }
0x60: {  	_ =	shalt  }
0x61: {  	_ =	shalt  }
0x62: {  	_ =	shalt  }
0x63: {  	_ =	shalt  }
0x64: {  	_ =	shalt  }
0x65: {  	_ =	shalt  }
0x66: {  	_ =	shalt  }
0x67: {  	_ =	shalt  }
0x68: {  	_ =	shalt  }
0x69: {  	_ =	shalt  }
0x6a: {  	_ =	shalt  }
0x6b: {  	_ =	shalt  }
0x6c: {  	_ =	shalt  }
0x6d: {  	_ =	shalt  }
0x6e: {  	_ =	shalt  }
0x6f: {  	_ =	shalt  }
0x70: {  	_ =	shalt  }
0x71: {  	_ =	shalt  }
0x72: {  	_ =	shalt  }
0x73: {  	_ =	shalt  }
0x74: {  	_ =	shalt  }
0x75: {  	_ =	shalt  }
0x76: {  	_ =	shalt  }
0x77: {  	_ =	shalt  }
0x78: {  	_ =	shalt  }
0x79: {  	_ =	shalt  }
0x7a: {  	_ =	shalt  }
0x7b: {  	_ =	shalt  }
0x7c: {  	_ =	shalt  }
0x7d: {  	_ =	shalt  }
0x7e: {  	_ =	shalt  }
0x7f: {  	_ =	shalt  }
0x80: {  	_ =	shalt  }
0x81: {  	_ =	shalt  }
0x82: {  	_ =	shalt  }
0x83: {  	_ =	shalt  }
0x84: {  	_ =	shalt  }
0x85: {  	_ =	shalt  }
0x86: {  	_ =	shalt  }
0x87: {  	_ =	shalt  }
.Lfunc_end0:
.L_simem_size_0:
called_computation.1_lowered:
.L_overlay_start_0:
0x88: {  	s2 =	sld [smem:$0x3FD9]  }
0x89: {  	s3 =	sld [smem:$0x3FFE];
	_ =	sdelay $0x1  }
0x8a: {  	s1 =	srdreg.scid  }
0x8b: {  	s0 =	sand.u32 $0x1, s1  }
0x8c: {  	s14 =	sshll.u32 s0, $0xA;
	s2 =	sadd.s32 s3, s2  }
0x8d: {  	s2 =	sadd.s32 s2, s14  }
0x8e: {  	[smem:$0x3FBB] =	sst s2  }
0x8f: {  	_ = 	snop  }
0x90: {  	s2 =	sld [smem:$0x3FD0];
	_ =	sdelay $0x2  }
0x91: {  	s15 =	simm.s32 $0xB;
	s4 =	simm.s32 $0x10  }
0x92: {  	[smem:s4], [sflag:s15] =	dma.local [hbm:s2], $0x1  }
0x93: {  	_ =	swait.eq [sflag:s15], $0x1  }
0x94: {  	[sflag:s15] =	ssyncset.done $0x0  }
0x95: {  	[sflag:s15] =	ssyncadd.s32 $0xFFFFFFFF  }
0x96: {  	s16 =	sld [smem:$0x11];
	(tm) =	ssettm $0x1  }
0x97: {  	s17 =	sld [smem:$0x3FFB];
	_ =	sdelay $0x3  }
0x98: {  	_ =	strace s17  }
0x99: {  	s3 =	sld [smem:$0x3FFC];
	_ =	sdelay $0x3  }
0x9a: {  	_ =	strace s3  }
0x9b: {  	s3 =	sld [smem:$0x3FFD];
	_ =	sdelay $0x3  }
0x9c: {  	_ =	strace s3  }
0x9d: {  	_ =	strace $0x8FFFFFFF  }
0x9e: {  	s18 =	sld [smem:$0x3FDB];
	_ =	sdelay $0x1  }
0x9f: {  	s19 =	simm.s32 $_scs_section_size  }
0xa0: {  	s5 =	simm.s32 $_size__tile_overlayer_lowered;
	s6 =	simm.s32 $_tile_overlayer_lowered  }
0xa1: {  	s22 =	simm.s32 $0x1BFF;
	s21 =	sshll.u32 s6, $0x1;
	s3 =	sadd.s32 s19, s18  }
0xa2: {  	s7 =	simm.s32 $0x0;
	s20 =	sshll.u32 s5, $0x1;
	s5 =	sadd.s32 s21, s3  }
0xa3: {  	[timem:s7], [sflag:s22] =	dma.local [hbm:s5], s20  }
0xa4: {  	_ =	swait.ge [sflag:s22], s20  }
0xa5: {  	s4 =	ssub.s32 $0x0, s20;
	[sflag:s22] =	ssyncset.done $0x0  }
0xa6: {  	[sflag:s22] =	ssyncadd.s32 s4;
	_ =	sdelay $0x1  }
0xa7: {  	s23 =	simm.s32 $0x1B8B  }
0xa8: {  	_ =	swait.ge [sflag:s23], $0x1  }
0xa9: {  	[sflag:s23] =	ssyncset.done $0x0  }
0xaa: {  	s25 =	simm.s32 $0x1B8E;
	s24 =	sld [smem:$0x3FFE];
	[sflag:s23] =	ssyncadd.s32 $0xFFFFFFFF  }
0xab: {  	s26 =	simm.s32 $execute0_lowered;
	[smem:$0x3FD2] =	sst s25  }
0xac: {  	s5 =	sshll.u32 s26, $0x1;
	_ =	strace $0x80000046;
	[dreg:$0x1] =	wrdreg $0xFFFFFFFF  }
0xad: {  	s28 =	simm.s32 $_size_execute0_lowered;
	s3 =	sadd.s32 s3, s5;
	[dreg:$0x0] =	wrdreg $0x0  }
0xae: {  	s5 =	sshll.u32 s28, $0x1;
	[dreg:$0x2] =	wrdreg s3  }
0xaf: {  	[dreg:$0x3] =	wrdreg s5  }
0xb0: {  	[dreg:$0x4] =	wrdreg $0xC0  }
0xb1: {  	_ =	task [dreg:s7], $0x5FFFF  }
0xb2: {  	[dreg:$0x1] =	wrdreg $0xFFFFFFFF  }
0xb3: {  	[dreg:$0x0] =	wrdreg $0x60  }
0xb4: {  	[dreg:$0x2] =	wrdreg s24  }
0xb5: {  	[dreg:$0x3] =	wrdreg s16  }
0xb6: {  	[dreg:$0x4] =	wrdreg $0x9  }
0xb7: {  	_ =	task.clear_ibuf [dreg:s7], $0x5FFFF;
	_ =	strace $0x90000046  }
0xb8: {  	s29 =	simm.s32 $0x9;
	_ =	strace $0x80000048  }
0xb9: {  	_ =	swait.ge [sflag:s29], $0x1  }
0xba: {  	[sflag:s29] =	ssyncadd.s32 $0xFFFFFFFF  }
0xbb: {  	_ =	strace $0x90000048  }
0xbc: {  	_ =	sfence  }
0xbd: {  	s30 =	sld [smem:$0x0];
	_ =	sdelay $0x2  }
0xbe: {  	s31 =	sshll.u32 s1, $0xD;
	s1 =	sshrl.u32 s1, $0x2  }
0xbf: {  	s3 =	sand.u32 $0x4000, s31;
	s1 =	sadd.s32 s1, s30  }
0xc0: {  	s0 =	sor.u32 s3, s0;
	s1 =	sshll.u32 s1, $0x11  }
0xc1: {  	s0 =	sor.u32 s1, s0  }
0xc2: {  	s0 =	sadd.s32 $0x8F2B, s0  }
0xc3: {  	[sflag:s0] =	ssyncadd.remote.s32 $0x1  }
0xc4: {  	_ =	sfence.sel $0xFFFF  }
0xc5: {  	[dreg:$0x0] =	wrdreg $0xFFFFFFFF;
	(pc) =	sbr.abs _section_cstart, $3  }
0xc6: {  	[dreg:$0x1] =	wrdreg $0xFFFFFFFF  }
0xc7: {  	_ =	task.clear_ibuf [dreg:s7], $0x2FFFF;
	_ =	strace $0x9FFFFFFF  }
0xc8: {  	(tm) =	ssettm $0x7FFFFFFF  }
0xc9: {  	_ =	shalt  }
tec
execute0_lowered:
.L_overlay_start_1:
0x0: {  	(tag) =	ssettag $0x1  }
0x1: {  	s2 =	rddreg [dreg:$0x0]  }
0x2: {  	s3 =	rddreg [dreg:$0x1]  }
0x3: {  	s0 =	rddreg [dreg:$0x2];
	s1 =	srdreg.scid;
	_ =	strace $0x80000047  }
0x4: {  	s4 =	simm.s32 $0x1;
	s9 =	simm.s32 $0x3;
	s5 =	sshll.u32 s1, $0x4  }
.Ltmp0:
0x5: {  	s1 =	stileid.u32;
	s5 =	sand.u32 $0x10, s5;
	(pc) =	sbr.rel .LBB2_1-.Ltmp0, $4  }
0x6: {  	s12 =	simm.s32 $0x0;
	s10 =	simm.s32 $0x0;
	s6 =	sor.u32 s1, s5  }
0x7: {  	[sflag:s4] =	ssyncpa.u1 $0x0;
	s5 =	simm.s32 $0x2;
	s6 =	sshll.u32 s6, $0x6  }
0x8: {  	s7 =	sadd.s32 $0x80000, s2;
	[sflag:s5] =	ssyncpa.u1 $0x0;
	s8 =	sadd.s32 $0x40, s6  }
0x9: {  	vm0 =	vmmov $0xff;
	vm1 =	vcmask $0x3F20;
	[sflag:s9] =	ssyncpa.u1 $0x0;
	s9 =	simm.s32 $0x40;
	s11 =	smov.u32 s6  }
.LBB2_9:
0xa: {  	p0 =	seq.s32 s10, $0x2  }
.Ltmp1:
0xb: {  	_ = 	snop;
	(pc) =	sbr.rel @p0 .LBB2_11-.Ltmp1, $1  }
0xc: {  	_ =	sdelay $0x3  }
.LBB2_10:
0xd: {  	s12 =	sadd.s32 $0x40, s11  }
0xe: {  	s13 =	smov.u32 s6;
	p0 =	slt.s32 s12, s8  }
0xf: {  	s13 =	smov.u32 @p0 s12  }
0x10: {  	s10 =	sadd.s32 $0x1, s10;
	s12 =	smov.u32 s11;
	s11 =	smov.u32 s13  }
.LBB2_1:
0x11: {  	p0 =	sne.s32 s10, $0x0  }
.Ltmp2:
0x12: {  	_ = 	snop;
	(pc) =	sbr.rel @!p0 .LBB2_2-.Ltmp2, $1  }
0x13: {  	_ =	sdelay $0x3  }
0x14: {  	s13 =	sand.u32 $0x1, s10  }
0x15: {  	p0 =	seq.s32 s13, $0x0  }
.Ltmp3:
0x16: {  	_ = 	snop;
	(pc) =	sbr.rel @p0 .LBB2_9-.Ltmp3, $1  }
0x17: {  	_ =	sdelay $0x3  }
0x18: {  	_ =	swait.ge [sflag:s5], $0x40  }
0x19: {  	[sflag:s5] =	ssyncset.done $0x0  }
0x1a: {  	s13 =	simm.s32 $0x0;
	[sflag:s5] =	ssyncadd.s32 $0xFFFFFFC0  }
0x1b: {  	v0 =	vld.msk [tilespmem:s13+$0x40 ss:$0x1], $0xffff;
	_ =	sdelay $0x4  }
0x1c: {  	v1 =	vshll.u32 v0, $0x5  }
0x1d: {  	vm2 =	veq.s32 v0, $0x80000000;
	v0 =	vshll.u32 v0, $0x14;
	v1 =	vand.u32 $0xFFF80, v1  }
0x1e: {  	v0 =	vand.u32 $0x300000, v0;
	v1 =	vsel vm2, $0xFFFFFF80, v1  }
0x1f: {  	v0 =	vsel vm2, $0xFFF00000, v0;
	v2 =	vand.u32 $0xFFFFFC00, v1  }
0x20: {  	v1 =	vand.u32 $0x380, v1;
	v0 =	vadd.s32 v0, v2  }
0x21: {  	v0 =	vor.u32 v1, v0  }
0x22: {  	v0 =	vshrl.u32 v0, $0x3;
	_ =	sdelay $0x3  }
0x23: {  	s13 =	simm.s32 $0x2080  }
0x24: {  	[tilespmem:s13], [sflag:$0x1] =	stream.indirect_vreg.gather [hbm:s2], $0x80, v0, vm0, $0x38;
	[tilespmem:$0x4080] =	vst v63  }
0x25: {  	s14 =	simm.s32 $0x2480;
	s31 =	simm.s32 $0x10  }
0x26: {  	[tilespmem:s14], [sflag:$0x1] =	stream.indirect_vreg.gather [hbm:s2], $0x80, v0, vm1, $0x38;
	[tilespmem:$0x4080] =	vst v63  }
0x27: {  	s14 =	simm.s32 $0x80;
	v0 =	vld.msk [tilespmem:s31+$0x40 ss:$0x1], $0xffff  }
.LBB2_5:
0x28: {  	p0 =	sne.s32 s14, $0xC0;
	_ =	sdelay $0x4  }
0x29: {  	v1 =	vshll.u32 v0, $0x5  }
0x2a: {  	vm2 =	veq.s32 v0, $0x80000000;
	v0 =	vshll.u32 v0, $0x14;
	v1 =	vand.u32 $0xFFF80, v1  }
0x2b: {  	v0 =	vand.u32 $0x300000, v0;
	v1 =	vsel vm2, $0xFFFFFF80, v1  }
0x2c: {  	v0 =	vsel vm2, $0xFFF00000, v0;
	v2 =	vand.u32 $0xFFFFFC00, v1  }
0x2d: {  	v1 =	vand.u32 $0x380, v1;
	v0 =	vadd.s32 v0, v2  }
0x2e: {  	v0 =	vor.u32 v1, v0  }
0x2f: {  	v0 =	vshrl.u32 v0, $0x3;
	_ =	sdelay $0x3  }
.Ltmp4:
0x30: {  	s13 =	sadd.s32 $0x800, s13;
	(pc) =	sbr.rel @p0 .LBB2_5-.Ltmp4, $4  }
0x31: {  	[tilespmem:s13], [sflag:$0x1] =	stream.indirect_vreg.gather [hbm:s2], $0x80, v0, vm0, $0x38;
	[tilespmem:$0x4080] =	vst v63  }
0x32: {  	s15 =	sshra.s32 s14, $0x2;
	s16 =	sadd.s32 $0x400, s13  }
0x33: {  	[tilespmem:s16], [sflag:$0x1] =	stream.indirect_vreg.gather [hbm:s2], $0x80, v0, vm1, $0x38;
	[tilespmem:$0x4080] =	vst v63  }
0x34: {  	s14 =	sadd.s32 $0x40, s14;
	v0 =	vld.msk [tilespmem:s15+$0x40 ss:$0x1], $0xffff  }
0x35: {  	_ =	sdelay $0x3  }
0x36: {  	v1 =	vshll.u32 v0, $0x5  }
0x37: {  	vm2 =	veq.s32 v0, $0x80000000;
	v63 =	vshll.u32 v0, $0x14;
	v1 =	vand.u32 $0xFFF80, v1  }
0x38: {  	v0 =	vand.u32 $0x300000, v63;
	v1 =	vsel vm2, $0xFFFFFF80, v1  }
0x39: {  	v0 =	vsel vm2, $0xFFF00000, v0;
	v2 =	vand.u32 $0xFFFFFC00, v1  }
0x3a: {  	v1 =	vand.u32 $0x380, v1;
	v0 =	vadd.s32 v0, v2  }
0x3b: {  	v0 =	vor.u32 v1, v0  }
0x3c: {  	v0 =	vshrl.u32 v0, $0x3;
	_ =	sdelay $0x3  }
0x3d: {  	s13 =	sadd.s32 $0x800, s13  }
0x3e: {  	[tilespmem:s13], [sflag:$0x1] =	stream.indirect_vreg.gather [hbm:s2], $0x80, v0, vm0, $0x38;
	[tilespmem:$0x4080] =	vst v63  }
0x3f: {  	s13 =	sadd.s32 $0x400, s13  }
0x40: {  	[tilespmem:s13], [sflag:$0x1] =	stream.indirect_vreg.gather [hbm:s2], $0x80, v0, vm1, $0x38;
	[tilespmem:$0x4080] =	vst v63  }
0x41: {  	s12 =	sshll.u32 s12, $0x4;
	s14 =	simm.s32 $0x80;
	_ =	swait.ge [sflag:s4], $0x2000  }
0x42: {  	s15 =	simm.s32 $0x2480;
	s12 =	sadd.s32 s12, s3;
	[sflag:s4] =	ssyncset.done $0x0  }
0x43: {  	s16 =	sadd.s32 $0x0, s12;
	s13 =	simm.s32 $0x2080;
	[sflag:s4] =	ssyncadd.s32 $0xFFFFE000  }
.LBB2_7:
0x44: {  	[hbm:s16] =	stream.linear.scatter [tilespmem:s13], [sflag:$0x3], $0x400, $0x38;
	[tilespmem:$0x4080] =	vst v63  }
0x45: {  	s16 =	smov.u32 s14;
	s13 =	smov.u32 s15;
	p0 =	sne.s32 s14, $0x380  }
.Ltmp5:
0x46: {  	s14 =	sadd.s32 $0x80, s14;
	(pc) =	sbr.rel @p0 .LBB2_7-.Ltmp5, $2  }
0x47: {  	_ =	sdelay $0x2  }
0x48: {  	s15 =	sadd.s32 $0x400, s15;
	s16 =	sadd.s32 s16, s12  }
.Ltmp6:
0x49: {  	(pc) =	sbr.rel .LBB2_9-.Ltmp6, $2  }
0x4a: {  	_ =	sdelay $0x2  }
0x4b: {  	[hbm:s16] =	stream.linear.scatter [tilespmem:s13], [sflag:$0x3], $0x400, $0x38;
	[tilespmem:$0x4080] =	vst v63  }
.LBB2_2:
.Ltmp7:
0x4c: {  	(pc) =	sbr.rel .LBB2_10-.Ltmp7, $4  }
0x4d: {  	_ = 	snop  }
0x4e: {  	s12 =	sshrl.u32 s11, $0x3  }
0x4f: {  	s13 =	sand.u32 $0x7, s11;
	s12 =	sadd.s32 s7, s12  }
0x50: {  	[tilespmem:s9], [sflag:$0x2] =	stream.linear.gather [hbm4b:s12+s13], $0x40, $0x38;
	[tilespmem:$0x4080] =	vst v63  }
.LBB2_11:
0x51: {  	s2 =	simm.s32 $0x3  }
0x52: {  	_ =	swait.ge [sflag:s2], $0x2000  }
0x53: {  	[sflag:s2] =	ssyncset.done $0x0  }
0x54: {  	[sflag:s2] =	ssyncadd.s32 $0xFFFFE000  }
0x55: {  	_ =	sfence.sel $0x180000  }
0x56: {  	s3 =	simm.s32 $0x2;
	[bflag:$0x0] =	sbarrier.arrive $0xFFFF  }
0x57: {  	[sflag:s3] =	ssyncpa.u1 $0x1  }
0x58: {  	s31 =	simm.s32 $0x1;
	[sflag:s2] =	ssyncpa.u1 $0x1  }
0x59: {  	[sflag:s31] =	ssyncpa.u1 $0x1  }
0x5a: {  	p0 =	sne.s32 s1, $0x0;
	_ =	strace $0x90000047  }
0x5b: {  	s0 =	sadd.s32 @!p0 $0x100000, s0;
	[bflag:$0x2] =	sbarrier.arrive $0xFFFF  }
0x5c: {  	[sflag:s0] =	ssyncadd.tile.s32 @!p0 $0x1;
	_ =	shalt  }
.Lfunc_end2:
_tile_overlayer_lowered:
.L_overlay_start_2:
0x5d: {  	(tag) =	ssettag $0x2  }
0x5e: {  	s0 =	rddreg [dreg:$0x0];
	s2 =	stileid.u32  }
0x5f: {  	s1 =	rddreg [dreg:$0x1];
	p0 =	sne.s32 s2, $0x0  }
0x60: {  	s3 =	rddreg [dreg:$0x2];
	[bflag:$0x3] =	sbarrier.arrive $0xFFFF;
	s2 =	simm.s32 @!p0 $0x1C01  }
0x61: {  	[timem:s3], [sflag:s2] =	dma.local @!p0 [hbm:s0], s1  }
0x62: {  	s0 =	simm.s32 @!p0 $0x1  }
0x63: {  	_ =	swait.ge @!p0 [sflag:s0], s1  }
0x64: {  	s1 =	ssub.s32 @!p0 $0x0, s1;
	[sflag:s0] =	ssyncset.done @!p0 $0x0  }
0x65: {  	[sflag:s0] =	ssyncadd.s32 @!p0 s1  }
0x66: {  	[bflag:$0x3] =	sbarrier.arrive $0xFFFF  }
0x67: {  	_ =	shalt  }

// kernel: sparse-core-data-format-call.cloned.1.call-start
scs
called_computation_lowered:
.L_overlay_start_0:
0x0: {  	s1 =	sld [smem:$0x3FD9]  }
0x1: {  	s2 =	sld [smem:$0x3FFE];
	_ =	sdelay $0x1  }
0x2: {  	s3 =	srdreg.scid  }
0x3: {  	s0 =	sand.u32 $0x1, s3  }
0x4: {  	s17 =	sshll.u32 s0, $0xA;
	s1 =	sadd.s32 s2, s1  }
0x5: {  	s1 =	sadd.s32 s1, s17  }
0x6: {  	[smem:$0x3FBB] =	sst s1  }
0x7: {  	_ = 	snop  }
0x8: {  	(tm) =	ssettm $0x1  }
0x9: {  	s18 =	sld [smem:$0x3FFB];
	_ =	sdelay $0x3  }
0xa: {  	_ =	strace s18  }
0xb: {  	s1 =	sld [smem:$0x3FFC];
	_ =	sdelay $0x3  }
0xc: {  	_ =	strace s1  }
0xd: {  	s1 =	sld [smem:$0x3FFD];
	_ =	sdelay $0x3  }
0xe: {  	_ =	strace s1  }
0xf: {  	_ =	strace $0x8FFFFFFF  }
0x10: {  	s19 =	sld [smem:$0x3FDB];
	_ =	sdelay $0x1  }
0x11: {  	s20 =	simm.s32 $_scs_section_size  }
0x12: {  	s4 =	simm.s32 $_size__tile_overlayer_lowered;
	s5 =	simm.s32 $_tile_overlayer_lowered  }
0x13: {  	s23 =	simm.s32 $0x1BFF;
	s22 =	sshll.u32 s5, $0x1;
	s1 =	sadd.s32 s20, s19  }
0x14: {  	s6 =	simm.s32 $0x0;
	s21 =	sshll.u32 s4, $0x1;
	s4 =	sadd.s32 s22, s1  }
0x15: {  	[timem:s6], [sflag:s23] =	dma.local [hbm:s4], s21  }
0x16: {  	_ =	swait.ge [sflag:s23], s21  }
0x17: {  	s2 =	ssub.s32 $0x0, s21;
	[sflag:s23] =	ssyncset.done $0x0  }
0x18: {  	[sflag:s23] =	ssyncadd.s32 s2;
	_ =	sdelay $0x1  }
0x19: {  	s24 =	simm.s32 $0x1B8B  }
0x1a: {  	_ =	swait.ge [sflag:s24], $0x1  }
0x1b: {  	[sflag:s24] =	ssyncset.done $0x0  }
0x1c: {  	s26 =	simm.s32 $0x1B8E;
	s25 =	sld [smem:$0x3FFE];
	[sflag:s24] =	ssyncadd.s32 $0xFFFFFFFF  }
0x1d: {  	s27 =	simm.s32 $execute0_lowered;
	[smem:$0x3FD2] =	sst s26  }
0x1e: {  	s4 =	sshll.u32 s27, $0x1;
	_ =	strace $0x80000055;
	[dreg:$0x1] =	wrdreg $0xFFFFFFFF  }
0x1f: {  	s28 =	simm.s32 $_size_execute0_lowered;
	s1 =	sadd.s32 s1, s4;
	[dreg:$0x0] =	wrdreg $0x0  }
0x20: {  	s4 =	sshll.u32 s28, $0x1;
	[dreg:$0x2] =	wrdreg s1  }
0x21: {  	[dreg:$0x3] =	wrdreg s4  }
0x22: {  	[dreg:$0x4] =	wrdreg $0xC0  }
0x23: {  	_ =	task [dreg:s6], $0x5FFFF  }
0x24: {  	[dreg:$0x1] =	wrdreg $0xFFFFFFFF  }
0x25: {  	[dreg:$0x0] =	wrdreg $0x60  }
0x26: {  	[dreg:$0x2] =	wrdreg s25  }
0x27: {  	[dreg:$0x3] =	wrdreg $0x9  }
0x28: {  	_ =	task.clear_ibuf [dreg:s6], $0x4FFFF;
	_ =	strace $0x90000055  }
0x29: {  	s29 =	simm.s32 $0x9;
	_ =	strace $0x80000057  }
0x2a: {  	_ =	swait.ge [sflag:s29], $0x1  }
0x2b: {  	[sflag:s29] =	ssyncadd.s32 $0xFFFFFFFF  }
0x2c: {  	_ =	strace $0x90000057  }
0x2d: {  	_ =	sfence  }
0x2e: {  	s30 =	sld [smem:$0x0];
	_ =	sdelay $0x2  }
0x2f: {  	s31 =	sshll.u32 s3, $0xD;
	s3 =	sshrl.u32 s3, $0x2  }
0x30: {  	s2 =	sand.u32 $0x4000, s31;
	s1 =	sadd.s32 s3, s30  }
0x31: {  	s0 =	sor.u32 s2, s0;
	s1 =	sshll.u32 s1, $0x11  }
0x32: {  	s0 =	sor.u32 s1, s0  }
0x33: {  	s0 =	sadd.s32 $0x8F2B, s0  }
0x34: {  	[sflag:s0] =	ssyncadd.remote.s32 $0x1  }
0x35: {  	_ =	sfence.sel $0xFFFF  }
0x36: {  	[dreg:$0x0] =	wrdreg $0xFFFFFFFF;
	(pc) =	sbr.abs _section_cstart, $3  }
0x37: {  	[dreg:$0x1] =	wrdreg $0xFFFFFFFF  }
0x38: {  	_ =	task.clear_ibuf [dreg:s6], $0x2FFFF;
	_ =	strace $0x9FFFFFFF  }
0x39: {  	(tm) =	ssettm $0x7FFFFFFF  }
tec
execute0_lowered:
.L_overlay_start_1:
0x0: {  	(tag) =	ssettag $0x1  }
0x1: {  	s0 =	stileid.u32;
	s1 =	srdreg.scid  }
0x2: {  	s4 =	rddreg [dreg:$0x0];
	s7 =	simm.s32 $0x1;
	s31 =	simm.s32 $0x2  }
0x3: {  	s16 =	simm.s32 $0x0;
	s2 =	sshll.u32 s0, $0x5;
	s1 =	sshll.u32 s1, $0x9  }
0x4: {  	s9 =	simm.s32 $0x2000;
	s14 =	simm.s32 $0x0;
	s1 =	sor.u32 s2, s1  }
0x5: {  	s15 =	simm.s32 $0x0;
	s10 =	simm.s32 $0x0;
	s2 =	sand.u32 $0x380, s1  }
0x6: {  	s13 =	simm.s32 $0x0;
	s3 =	sadd.s32 $0x80000, s4;
	s5 =	ssub.s32 $0x400, s2  }
0x7: {  	s4 =	sadd.s32 $0x480000, s4;
	s1 =	rddreg [dreg:$0x1];
	s6 =	sand.u32 $0x380, s5  }
.Ltmp0:
0x8: {  	_ =	strace $0x80000056;
	p0 =	sne.s32 s6, $0x0;
	(pc) =	sbr.rel .LBB1_1-.Ltmp0, $4  }
0x9: {  	s11 =	smov.u32 s2;
	s8 =	sshrl.u32 s5, $0xA;
	s7 =	simm.s32 @!p0 $0x0  }
0xa: {  	s5 =	sand.u32 $0x3, s0;
	s6 =	simm.s32 $0x1;
	s7 =	sadd.s32 s7, s8  }
0xb: {  	s12 =	smov.u32 s5;
	[sflag:s6] =	ssyncpa.u1 $0x0;
	s7 =	sshll.u32 s7, $0x6  }
0xc: {  	p0 =	por $0x0, $0x0;
	[sflag:s31] =	ssyncpa.u1 $0x0;
	s8 =	sor.u32 $0x1, s7  }
.LBB1_4:
0xd: {  	v5 =	vld [tilespmem:s20+$0xFFFFFFD0];
	[tilespmem:s19+$0x2040 ss:$0x81] =	vst.msk $0xffff, v1  }
0xe: {  	v58 =	vld [tilespmem:s20+$0xFFFFFFE0];
	[tilespmem:s19+$0x2850 ss:$0x81] =	vst.msk $0xffff, v2  }
0xf: {  	s21 =	sshra.s32 s21, $0x2;
	v59 =	vld [tilespmem:s20+$0xFFFFFFF0];
	[tilespmem:s19+$0x3060 ss:$0x81] =	vst.msk $0xffff, v3  }
0x10: {  	v60 =	vld [tilespmem:s20+$0x0];
	[tilespmem:s19+$0x0 ss:$0x81] =	vst.msk $0xffff, v0;
	s18 =	sadd.s32 s21, s18  }
0x11: {  	v61 =	vld [tilespmem:s20+$0x10];
	[tilespmem:s18+$0x3870 ss:$0x81] =	vst.msk $0xffff, v4  }
0x12: {  	v62 =	vld [tilespmem:s20+$0x20];
	s26 =	sshll.u32 s16, $0xA;
	s27 =	sshll.u32 s14, $0x3;
	[tilespmem:s18+$0x810 ss:$0x81] =	vst.msk $0xffff, v5  }
0x13: {  	v63 =	vld [tilespmem:s20+$0xFFFFFFC0];
	s29 =	sshll.u32 s16, $0x7;
	s30 =	sand.u32 $0x78, s14;
	s15 =	sshll.u32 s15, $0x14;
	[tilespmem:s18+$0x1020 ss:$0x81] =	vst.msk $0xffff, v58  }
0x14: {  	s19 =	sand.u32 $0x7FE000, s26;
	s28 =	sand.u32 $0x7FFC00, s27;
	s16 =	sand.u32 $0x380, s29;
	[tilespmem:s18+$0x1830 ss:$0x81] =	vst.msk $0xffff, v59  }
0x15: {  	s31 =	sand.u32 $0x7, s14;
	s19 =	sadd.s32 s28, s19;
	s16 =	sor.u32 s30, s16;
	[tilespmem:s18+$0x2040 ss:$0x81] =	vst.msk $0xffff, v60  }
0x16: {  	s15 =	sadd.s32 s4, s15;
	s19 =	sshrl.u32 s19, $0x3;
	s16 =	sshrl.u32 s16, $0x3;
	[tilespmem:s18+$0x2850 ss:$0x81] =	vst.msk $0xffff, v61  }
0x17: {  	s14 =	sshll.u32 s31, $0x12;
	s19 =	sand.u32 $0xFFF80, s19;
	s15 =	sadd.s32 s16, s15;
	[tilespmem:s18+$0x3060 ss:$0x81] =	vst.msk $0xffff, v62  }
0x18: {  	s14 =	sor.u32 $0x400, s14;
	[tilespmem:s18+$0x0 ss:$0x81] =	vst.msk $0xffff, v63;
	s15 =	sadd.s32 s19, s15  }
0x19: {  	[hbm4b:s15+s14] =	stream.strided.scatter [tilespmem:s17], [sflag:$0x2], $0x4000, s9, s14, $0x20;
	[tilespmem:$0x10100] =	vst v63  }
.LBB1_5:
0x1a: {  	s17 =	sadd.s32 $0x80, s10  }
0x1b: {  	s14 =	sadd.s32 $0x400, s11;
	s18 =	smov.u32 s11;
	p2 =	sgt.s32 s17, $0x1FFF  }
0x1c: {  	s18 =	smov.u32 @p2 s14  }
0x1d: {  	s20 =	smov.u32 s12;
	s14 =	sadd.s32 $0x4, s12;
	p3 =	sgt.s32 s18, $0x3FF  }
0x1e: {  	s20 =	smov.u32 @p3 s14  }
0x1f: {  	s17 =	simm.s32 @p2 $0x0;
	p2 =	sgt.s32 s20, $0x3  }
0x20: {  	p1 =	slt.u32 s13, $0x2;
	s20 =	smov.u32 @p2 s5;
	p2 =	sne.s32 s13, s8  }
.Ltmp1:
0x21: {  	s19 =	simm.s32 @!p1 $0x2;
	(pc) =	sbr.rel @!p2 .LBB1_6-.Ltmp1, $4  }
0x22: {  	s16 =	smov.u32 s10;
	s15 =	smov.u32 s12;
	_ =	swait.ge @!p1 [sflag:s19], $0x4000  }
0x23: {  	p0 =	por !p0, !p0;
	[sflag:s19] =	ssyncset.done @!p1 $0x0;
	s10 =	smov.u32 s17  }
0x24: {  	s18 =	smov.u32 @p3 s2;
	s14 =	smov.u32 s11;
	[sflag:s19] =	ssyncadd.s32 @!p1 $0xFFFFC000  }
0x25: {  	s11 =	smov.u32 s18;
	s13 =	sadd.s32 $0x1, s13;
	s12 =	smov.u32 s20  }
.LBB1_1:
0x26: {  	p1 =	sge.u32 s13, s7;
	s31 =	sadd.s32 $0xFFFFFFFF, s13  }
0x27: {  	s17 =	sxor.u32 @!p1 $0xFFFFFFFF, s13;
	s18 =	sand.u32 @!p1 $0x78, s10;
	s19 =	sshll.u32 @!p1 s11, $0xD  }
0x28: {  	s20 =	sshll.u32 @!p1 s11, $0x7;
	s21 =	sshll.u32 @!p1 s10, $0x3;
	s17 =	sshll.u32 @!p1 s17, $0xE  }
0x29: {  	s19 =	sand.u32 @!p1 $0x7F0000, s19;
	s20 =	sand.u32 @!p1 $0x380, s20;
	s17 =	sand.u32 @!p1 $0x4000, s17  }
0x2a: {  	s19 =	sadd.s32 @!p1 s19, s21;
	s21 =	sand.u32 @!p1 $0x1C00, s21;
	s18 =	sor.u32 @!p1 s20, s18  }
0x2b: {  	s20 =	sshll.u32 @!p1 s12, $0x14;
	s18 =	sor.u32 @!p1 s21, s18;
	s19 =	sshrl.u32 @!p1 s19, $0x3  }
0x2c: {  	s20 =	sadd.s32 @!p1 s3, s20;
	s21 =	sand.u32 @!p1 $0x7, s10;
	s19 =	sand.u32 @!p1 $0xFFC00, s19  }
0x2d: {  	s18 =	sshrl.u32 @!p1 s18, $0x3;
	s19 =	sadd.s32 @!p1 s19, s20;
	s20 =	sshll.u32 @!p1 s21, $0x12  }
0x2e: {  	s18 =	sadd.s32 @!p1 s18, s19;
	s19 =	sor.u32 @!p1 $0x400, s20;
	s20 =	simm.s32 @!p1 $0x10000  }
0x2f: {  	[tilespmem:s17], [sflag:$0x1] =	stream.strided.gather @!p1 [hbm4b:s18+s19], $0x4000, s20, s19, $0x38;
	[tilespmem:$0x10100] =	vst v63  }
0x30: {  	p1 =	sge.u32 s31, s7  }
.Ltmp2:
0x31: {  	_ = 	snop;
	(pc) =	sbr.rel @p1 .LBB1_5-.Ltmp2, $1  }
0x32: {  	_ =	sdelay $0x3  }
0x33: {  	s17 =	simm.s32 $0x1  }
0x34: {  	_ =	swait.ge [sflag:s6], $0x4000;
	s17 =	simm.s32 @!p0 $0x0  }
0x35: {  	[sflag:s6] =	ssyncset.done $0x0;
	s18 =	sshll.u32 s17, $0xE  }
0x36: {  	[sflag:s6] =	ssyncadd.s32 $0xFFFFC000;
	s20 =	sor.u32 $0x40, s18  }
0x37: {  	s17 =	smul.u32 $0x10200, s17;
	v0 =	vld [tilespmem:s20+$0x30]  }
0x38: {  	v3 =	vld [tilespmem:s20+$0xFFFFFFD0]  }
0x39: {  	s17 =	sshrl.u32 s17, $0x2;
	v4 =	vld [tilespmem:s20+$0xFFFFFFE0]  }
0x3a: {  	v5 =	vld [tilespmem:s20+$0xFFFFFFF0];
	s18 =	sor.u32 $0x8000, s17  }
0x3b: {  	s31 =	sand.u32 $0x1, s13;
	v1 =	vld [tilespmem:s20+$0x0];
	s19 =	sadd.s32 $0x0, s18  }
0x3c: {  	v2 =	vld [tilespmem:s20+$0x10];
	s17 =	smul.u32 $0x10200, s31;
	[tilespmem:s19+$0x3870 ss:$0x81] =	vst.msk $0xffff, v0  }
0x3d: {  	[tilespmem:s19+$0x810 ss:$0x81] =	vst.msk $0xffff, v3;
	v3 =	vld [tilespmem:s20+$0x20]  }
0x3e: {  	s17 =	sshrl.u32 s17, $0x2;
	v0 =	vld [tilespmem:s20+$0xFFFFFFC0];
	[tilespmem:s19+$0x1020 ss:$0x81] =	vst.msk $0xffff, v4;
	s20 =	sadd.s32 $0x80, s20  }
0x3f: {  	s21 =	simm.s32 $0x4;
	s22 =	simm.s32 $0x8;
	s17 =	sor.u32 $0x8000, s17;
	[tilespmem:s19+$0x1830 ss:$0x81] =	vst.msk $0xffff, v5;
	v4 =	vld [tilespmem:s20+$0x30]  }
.LBB1_3:
0x40: {  	p1 =	sne.s32 s22, $0x1FC;
	v5 =	vld [tilespmem:s20+$0xFFFFFFD0];
	[tilespmem:s19+$0x2040 ss:$0x81] =	vst.msk $0xffff, v1  }
0x41: {  	v6 =	vld [tilespmem:s20+$0xFFFFFFE0];
	[tilespmem:s19+$0x2850 ss:$0x81] =	vst.msk $0xffff, v2  }
0x42: {  	s23 =	sshra.s32 s21, $0x2;
	s21 =	smov.u32 s22;
	v7 =	vld [tilespmem:s20+$0xFFFFFFF0];
	[tilespmem:s19+$0x3060 ss:$0x81] =	vst.msk $0xffff, v3  }
.Ltmp3:
0x43: {  	v1 =	vld [tilespmem:s20+$0x0];
	[tilespmem:s19+$0x0 ss:$0x81] =	vst.msk $0xffff, v0;
	s19 =	sadd.s32 s23, s18;
	(pc) =	sbr.rel @p1 .LBB1_3-.Ltmp3, $4  }
0x44: {  	v2 =	vld [tilespmem:s20+$0x10];
	[tilespmem:s19+$0x3870 ss:$0x81] =	vst.msk $0xffff, v4  }
0x45: {  	[tilespmem:s19+$0x810 ss:$0x81] =	vst.msk $0xffff, v5;
	v3 =	vld [tilespmem:s20+$0x20]  }
0x46: {  	v0 =	vld [tilespmem:s20+$0xFFFFFFC0];
	[tilespmem:s19+$0x1020 ss:$0x81] =	vst.msk $0xffff, v6;
	s20 =	sadd.s32 $0x80, s20  }
0x47: {  	s22 =	sadd.s32 $0x4, s22;
	v4 =	vld [tilespmem:s20+$0x30];
	[tilespmem:s19+$0x1830 ss:$0x81] =	vst.msk $0xffff, v7  }
.Ltmp4:
0x48: {  	_ = 	snop;
	(pc) =	sbr.rel .LBB1_4-.Ltmp4, $1  }
0x49: {  	_ =	sdelay $0x3  }
.LBB1_6:
0x4a: {  	_ =	sfence.sel $0x180000  }
0x4b: {  	s2 =	simm.s32 $0x1;
	[bflag:$0x0] =	sbarrier.arrive $0xFFFF  }
0x4c: {  	s31 =	simm.s32 $0x2;
	[sflag:s2] =	ssyncpa.u1 $0x1  }
0x4d: {  	[sflag:s31] =	ssyncpa.u1 $0x1  }
0x4e: {  	p0 =	sne.s32 s0, $0x0;
	_ =	strace $0x90000056  }
0x4f: {  	s0 =	sadd.s32 @!p0 $0x100000, s1;
	[bflag:$0x2] =	sbarrier.arrive $0xFFFF  }
0x50: {  	[sflag:s0] =	ssyncadd.tile.s32 @!p0 $0x1;
	_ =	shalt  }
.Lfunc_end1:
_tile_overlayer_lowered:
.L_overlay_start_2:
0x51: {  	(tag) =	ssettag $0x2  }
0x52: {  	s0 =	rddreg [dreg:$0x0];
	s2 =	stileid.u32  }
0x53: {  	s1 =	rddreg [dreg:$0x1];
	p0 =	sne.s32 s2, $0x0  }
0x54: {  	s3 =	rddreg [dreg:$0x2];
	[bflag:$0x3] =	sbarrier.arrive $0xFFFF;
	s2 =	simm.s32 @!p0 $0x1C01  }
0x55: {  	[timem:s3], [sflag:s2] =	dma.local @!p0 [hbm:s0], s1  }
0x56: {  	s0 =	simm.s32 @!p0 $0x1  }
0x57: {  	_ =	swait.ge @!p0 [sflag:s0], s1  }
0x58: {  	s1 =	ssub.s32 @!p0 $0x0, s1;
	[sflag:s0] =	ssyncset.done @!p0 $0x0  }
0x59: {  	[sflag:s0] =	ssyncadd.s32 @!p0 s1  }
0x5a: {  	[bflag:$0x3] =	sbarrier.arrive $0xFFFF  }
0x5b: {  	_ =	shalt  }

</sc_bundles>
